<compile_context>
chip_gen: v7x
topology: tpu7x:2x2x1
jax: 0.10.2.dev20260603
libtpu: 0.0.44.dev20260713+nightly
codegen_flags: <defaults>
</compile_context>

<pallas_src>
import functools

import jax
import jax.numpy as jnp
from jax import lax
from jax.experimental import pallas as pl
from jax.experimental.pallas import tpu as pltpu
from jax.experimental.pallas import tpu_sc as plsc

D = 32
B = 16384
H = 50
NC, NS = 2, 16
HPC = H // NC
BPT = B // NS
CHUNK = 128
NCHUNK = BPT // CHUNK
L = 16
ACC_ROWS = 32

_mesh = plsc.VectorSubcoreMesh(core_axis_name="c", subcore_axis_name="s")


@functools.partial(
    pl.kernel,
    mesh=_mesh,
    compiler_params=pltpu.CompilerParams(
        use_tc_tiling_on_sc=False, needs_layout_passes=False
    ),
    out_type=jax.ShapeDtypeStruct((H, D), jnp.float32),
    scratch_types=[
        pltpu.VMEM((BPT, H), jnp.int32),
        pltpu.VMEM((BPT,), jnp.int32),
        pltpu.VMEM((2, CHUNK, D), jnp.float32),
        pltpu.VMEM((ACC_ROWS, D), jnp.float32),
        pltpu.VMEM((ACC_ROWS,), jnp.int32),
        pltpu.VMEM((D,), jnp.float32),
        pltpu.VMEM_SHARED((ACC_ROWS, D), jnp.float32),
        pltpu.SemaphoreType.DMA((2,)),
    ],
)
def _cbow_sc(idx_hbm, table_hbm, out_hbm, idxblk_v, list_v, rows_v, acc_v,
             rowids_v, st_v, shared_acc, sems):
    c = lax.axis_index("c")
    s = lax.axis_index("s")
    lanes = jnp.arange(L, dtype=jnp.int32)

    def gather(k, p):
        return pltpu.make_async_copy(
            table_hbm.at[list_v.at[pl.ds(k * CHUNK, CHUNK)]],
            rows_v.at[p],
            sems.at[p],
        )

    def accum_chunk(buf, accs):
        def row_body(r, a):
            a0, a1, a2, a3, a4, a5, a6, a7 = a
            base = r * 4
            a0 = a0 + buf[base, pl.ds(0, L)]
            a1 = a1 + buf[base, pl.ds(L, L)]
            a2 = a2 + buf[base + 1, pl.ds(0, L)]
            a3 = a3 + buf[base + 1, pl.ds(L, L)]
            a4 = a4 + buf[base + 2, pl.ds(0, L)]
            a5 = a5 + buf[base + 2, pl.ds(L, L)]
            a6 = a6 + buf[base + 3, pl.ds(0, L)]
            a7 = a7 + buf[base + 3, pl.ds(L, L)]
            return (a0, a1, a2, a3, a4, a5, a6, a7)

        return lax.fori_loop(0, CHUNK // 4, row_body, accs)

    pltpu.sync_copy(idx_hbm.at[pl.ds(s * BPT, BPT)], idxblk_v)

    rowids_v[pl.ds(0, L)] = lanes
    rowids_v[pl.ds(L, L)] = lanes + L

    def j_body(j, _):
        h = 2 * j + c

        def compact_body(v, _):
            rows = lanes + v * L
            cols = jnp.broadcast_to(h, (L,)).astype(jnp.int32)
            list_v[pl.ds(v * L, L)] = plsc.load_gather(idxblk_v, [rows, cols])
            return 0

        lax.fori_loop(0, BPT // L, compact_body, 0)

        gather(0, 0).start()
        zero = jnp.zeros((L,), jnp.float32)

        def g_body(g, accs):
            k0 = g * 2
            gather(k0 + 1, 1).start()
            gather(0, 0).wait()
            accs = accum_chunk(rows_v.at[0], accs)

            @pl.when(k0 + 2 < NCHUNK)
            def _():
                gather(k0 + 2, 0).start()

            gather(0, 1).wait()
            return accum_chunk(rows_v.at[1], accs)

        accs = lax.fori_loop(0, NCHUNK // 2, g_body, (zero,) * 8)
        acc_v[j, pl.ds(0, L)] = (accs[0] + accs[2]) + (accs[4] + accs[6])
        acc_v[j, pl.ds(L, L)] = (accs[1] + accs[3]) + (accs[5] + accs[7])
        return 0

    lax.fori_loop(0, HPC, j_body, 0)

    @pl.when(s == 0)
    def _():
        pltpu.sync_copy(acc_v, shared_acc)

    plsc.subcore_barrier()

    @pl.when(s != 0)
    def _():
        pltpu.sync_copy(acc_v, shared_acc.at[rowids_v], add=True)

    plsc.subcore_barrier()

    scale = jnp.float32(1.0 / B)

    def writeout(hl):
        pltpu.sync_copy(shared_acc.at[hl], st_v)
        st_v[pl.ds(0, L)] = st_v[pl.ds(0, L)] * scale
        st_v[pl.ds(L, L)] = st_v[pl.ds(L, L)] * scale
        pltpu.sync_copy(st_v, out_hbm.at[2 * hl + c])

    writeout(s)

    @pl.when(s + NS < HPC)
    def _():
        writeout(s + NS)


def kernel(input, table):
    return _cbow_sc(input.astype(jnp.int32), table)

# --- scband reference (transcript-rebuilt; emitter-appended) ---
"""Pipeline reference for scband-cbowembedder-30700426231816 (READ-ONLY COPY).

The authoritative reference and input builder live on the scoring server;
editing this copy changes nothing except your own understanding.
"""

import jax, jax.numpy as jnp
import numpy as np

VOCAB = 1000000
EMBED_DIM = 32
BATCH = 16384
HIST = 50

def setup_inputs(seed: int = 0) -> dict:
    key = jax.random.key(seed)
    k_idx, k_tab = jax.random.split(key)
    indices = jax.random.randint(k_idx, (BATCH, HIST), 0, VOCAB, dtype=jnp.int64 if jax.config.read('jax_enable_x64') else jnp.int32)
    table = jax.random.normal(k_tab, (VOCAB, EMBED_DIM), dtype=jnp.float32)
    return {"input": indices, "table": table}

def reference(input, table):
    # CBOWEmbedder.forward: self.embeddings(input).mean(dim=0)
    emb = jnp.take(table, input, axis=0)  # [BATCH, HIST, EMBED_DIM]
    return emb.mean(axis=0)               # [HIST, EMBED_DIM]

if __name__ == "__main__":
    import jax
    _d = setup_inputs()
    print(jax.jit(kernel)(*tuple(_d.values())))

</pallas_src>

<mosaic_0001>
#map = affine_map<(d0, d1) -> (0, 0)>
module attributes {stable_mosaic.version = 14 : i64} {
  func.func @_cbow_sc(%arg0: i32, %arg1: i32, %arg2: memref<16384x50xi32, #tpu.memory_space<hbm>>, %arg3: memref<1000000x32xf32, #tpu.memory_space<hbm>>, %arg4: memref<50x32xf32, #tpu.memory_space<hbm>>, %arg5: memref<1024x50xi32, #tpu.memory_space<vmem>>, %arg6: memref<1024xi32, #tpu.memory_space<vmem>>, %arg7: memref<2x128x32xf32, #tpu.memory_space<vmem>>, %arg8: memref<32x32xf32, #tpu.memory_space<vmem>>, %arg9: memref<32xi32, #tpu.memory_space<vmem>>, %arg10: memref<32xf32, #tpu.memory_space<vmem>>, %arg11: memref<32x32xf32, #tpu.memory_space<vmem_shared>>, %arg12: memref<2x!tpu.dma_semaphore, #tpu.memory_space<semaphore_mem>>) attributes {dimension_semantics = [#tpu.dimension_semantics<core_parallel>, #tpu.dimension_semantics<subcore_parallel>], iteration_bounds = array<i64: 2, 16>, scalar_prefetch = 0 : i64, scratch_operands = 8 : i64, tpu.core_type = #tpu.core_type<sc_vector_subcore>, window_params = [{transform_indices = #map}, {transform_indices = #map}, {transform_indices = #map}]} {
    %iota3A = tpu.iota {dimensions = array<i32: 0>} : vector<16xi32>
    %mul3A = arith.constant 1024 : i32
    %mul3A_0 = arith.muli %arg1, %mul3A : i32
    "tpu.region"() ({
      %run_scoped3A = tpu.sem_alloc : memref<!tpu.dma_semaphore, #tpu.memory_space<semaphore_mem>>
      %dma_start3A = arith.constant 0 : i32
      %dma_start3A_42 = tpu.memref_slice %arg2[%mul3A_0, %dma_start3A] : memref<16384x50xi32, #tpu.memory_space<hbm>> -> memref<1024x50xi32, #tpu.memory_space<hbm>>
      %dma_start3A_43 = arith.constant 0 : i32
      %dma_start3A_44 = tpu.memref_slice %arg2[%mul3A_0, %dma_start3A_43] : memref<16384x50xi32, #tpu.memory_space<hbm>> -> memref<1024x50xi32, #tpu.memory_space<hbm>>
      tpu.enqueue_dma source(%dma_start3A_44 : memref<1024x50xi32, #tpu.memory_space<hbm>>) target(%arg5 : memref<1024x50xi32, #tpu.memory_space<vmem>>) target_semaphore(%run_scoped3A : memref<!tpu.dma_semaphore, #tpu.memory_space<semaphore_mem>>)
      %dma_wait3A = arith.constant 0 : i32
      %dma_wait3A_45 = tpu.memref_slice %arg2[%mul3A_0, %dma_wait3A] : memref<16384x50xi32, #tpu.memory_space<hbm>> -> memref<1024x50xi32, #tpu.memory_space<hbm>>
      %dma_wait3A_46 = arith.constant 0 : i32
      %dma_wait3A_47 = tpu.memref_slice %arg2[%mul3A_0, %dma_wait3A_46] : memref<16384x50xi32, #tpu.memory_space<hbm>> -> memref<1024x50xi32, #tpu.memory_space<hbm>>
      tpu.wait_dma2 semaphore(%run_scoped3A : memref<!tpu.dma_semaphore, #tpu.memory_space<semaphore_mem>>) src(%dma_wait3A_47 : memref<1024x50xi32, #tpu.memory_space<hbm>>) dst(%arg5 : memref<1024x50xi32, #tpu.memory_space<vmem>>)
      tpu.yield
    }) : () -> ()
    %swap3A = arith.constant 0 : index
    %swap3A_1 = tpu.vector_load %arg9[%swap3A] {strides = array<i32>} : memref<32xi32, #tpu.memory_space<vmem>>, vector<16xi32>,
    tpu.vector_store %arg9[%swap3A], %iota3A {strides = array<i32>} : memref<32xi32, #tpu.memory_space<vmem>>, vector<16xi32>,
    %add3A = arith.constant 16 : i32
    %add3A_2 = vector.broadcast %add3A : i32 to vector<16xi32>
    %add3A_3 = arith.addi %iota3A, %add3A_2 : vector<16xi32>
    %swap3A_4 = arith.constant 16 : index
    %swap3A_5 = tpu.vector_load %arg9[%swap3A_4] {strides = array<i32>} : memref<32xi32, #tpu.memory_space<vmem>>, vector<16xi32>,
    tpu.vector_store %arg9[%swap3A_4], %add3A_3 {strides = array<i32>} : memref<32xi32, #tpu.memory_space<vmem>>, vector<16xi32>,
    %scan3A = arith.constant 0 : i32
    %scan3A_6 = arith.constant 0 : i32
    %scan3A_7 = arith.constant 25 : i32
    %scan3A_8 = arith.addi %scan3A_6, %scan3A_7 : i32
    %scan3A_9 = arith.constant 1 : i32
    %scan3A_10 = scf.for %scan3A_42 = %scan3A_6 to %scan3A_8 step %scan3A_9 iter_args(%scan3A_43 = %scan3A) -> (i32)  : i32 {
      %mul3A_44 = arith.constant 2 : i32
      %mul3A_45 = arith.muli %mul3A_44, %scan3A_42 : i32
      %add3A_46 = arith.addi %mul3A_45, %arg0 : i32
      %scan3A_47 = arith.constant 0 : i32
      %scan3A_48 = arith.constant 0 : i32
      %scan3A_49 = arith.constant 64 : i32
      %scan3A_50 = arith.addi %scan3A_48, %scan3A_49 : i32
      %scan3A_51 = arith.constant 1 : i32
      %scan3A_52 = scf.for %scan3A_86 = %scan3A_48 to %scan3A_50 step %scan3A_51 iter_args(%scan3A_87 = %scan3A_47) -> (i32)  : i32 {
        %mul3A_88 = arith.constant 16 : i32
        %mul3A_89 = arith.muli %scan3A_86, %mul3A_88 : i32
        %add3A_90 = vector.broadcast %mul3A_89 : i32 to vector<16xi32>
        %add3A_91 = arith.addi %iota3A, %add3A_90 : vector<16xi32>
        %broadcast_in_dim3A_92 = vector.broadcast %add3A_46 : i32 to vector<16xi32>
        %gather3A = tpu.vector_load_idx %arg5[%add3A_91, %broadcast_in_dim3A_92] : memref<1024x50xi32, #tpu.memory_space<vmem>>[vector<16xi32>, vector<16xi32>], vector<16xi32>,
        %mul3A_93 = arith.constant 16 : i32
        %mul3A_94 = arith.muli %scan3A_86, %mul3A_93 : i32
        %swap3A_95 = arith.index_cast %mul3A_94 : i32 to index
        %swap3A_96 = tpu.vector_load %arg6[%swap3A_95] {strides = array<i32>} : memref<1024xi32, #tpu.memory_space<vmem>>, vector<16xi32>,
        tpu.vector_store %arg6[%swap3A_95], %gather3A {strides = array<i32>} : memref<1024xi32, #tpu.memory_space<vmem>>, vector<16xi32>,
        %scan3A_97 = arith.constant 0 : i32
        scf.yield %scan3A_97 : i32
      }
      %scan3A_53 = arith.constant 64 : i32
      %dma_start3A = arith.constant 0 : i32
      %dma_start3A_54 = arith.constant 0 : i32
      %dma_start3A_55 = arith.constant 0 : i32
      %dma_start3A_56 = arith.constant 0 : i32
      %dma_start3A_57 = tpu.memref_slice %arg7[%dma_start3A, %dma_start3A_55, %dma_start3A_56] : memref<2x128x32xf32, #tpu.memory_space<vmem>> -> memref<1x128x32xf32, #tpu.memory_space<vmem>>
      %dma_start3A_58 = tpu.memref_squeeze %dma_start3A_57 : memref<1x128x32xf32, #tpu.memory_space<vmem>> -> memref<128x32xf32, #tpu.memory_space<vmem>>
      %dma_start3A_59 = arith.constant 0 : i32
      %dma_start3A_60 = tpu.memref_slice %arg6[%dma_start3A_59] : memref<1024xi32, #tpu.memory_space<vmem>> -> memref<128xi32, #tpu.memory_space<vmem>>
      %dma_start3A_61 = arith.constant 0 : i32
      %dma_start3A_62 = arith.constant 0 : i32
      %dma_start3A_63 = tpu.memref_slice %arg3[%dma_start3A_61, %dma_start3A_62] : memref<1000000x32xf32, #tpu.memory_space<hbm>> -> memref<1000000x32xf32, #tpu.memory_space<hbm>>
      %dma_start3A_64 = tpu.memref_slice %arg12[%dma_start3A_54] : memref<2x!tpu.dma_semaphore, #tpu.memory_space<semaphore_mem>> -> memref<1x!tpu.dma_semaphore, #tpu.memory_space<semaphore_mem>>
      %dma_start3A_65 = tpu.memref_squeeze %dma_start3A_64 : memref<1x!tpu.dma_semaphore, #tpu.memory_space<semaphore_mem>> -> memref<!tpu.dma_semaphore, #tpu.memory_space<semaphore_mem>>
      tpu.enqueue_indirect_dma source(%dma_start3A_63 : memref<1000000x32xf32, #tpu.memory_space<hbm>>) target(%dma_start3A_58 : memref<128x32xf32, #tpu.memory_space<vmem>>) offsets(%dma_start3A_60 : memref<128xi32, #tpu.memory_space<vmem>>) semaphore(%dma_start3A_65 : memref<!tpu.dma_semaphore, #tpu.memory_space<semaphore_mem>>)
      %broadcast_in_dim3A = arith.constant 0.000000e+00 : f32
      %broadcast_in_dim3A_66 = vector.broadcast %broadcast_in_dim3A : f32 to vector<16xf32>
      %scan3A_67 = arith.constant 0 : i32
      %scan3A_68 = arith.constant 4 : i32
      %scan3A_69 = arith.addi %scan3A_67, %scan3A_68 : i32
      %scan3A_70 = arith.constant 1 : i32
      %scan3A_71:8 = scf.for %scan3A_86 = %scan3A_67 to %scan3A_69 step %scan3A_70 iter_args(%scan3A_87 = %broadcast_in_dim3A_66, %scan3A_88 = %broadcast_in_dim3A_66, %scan3A_89 = %broadcast_in_dim3A_66, %scan3A_90 = %broadcast_in_dim3A_66, %scan3A_91 = %broadcast_in_dim3A_66, %scan3A_92 = %broadcast_in_dim3A_66, %scan3A_93 = %broadcast_in_dim3A_66, %scan3A_94 = %broadcast_in_dim3A_66) -> (vector<16xf32>, vector<16xf32>, vector<16xf32>, vector<16xf32>, vector<16xf32>, vector<16xf32>, vector<16xf32>, vector<16xf32>)  : i32 {
        %mul3A_95 = arith.constant 2 : i32
        %mul3A_96 = arith.muli %scan3A_86, %mul3A_95 : i32
        %add3A_97 = arith.constant 1 : i32
        %add3A_98 = arith.addi %mul3A_96, %add3A_97 : i32
        %mul3A_99 = arith.constant 128 : i32
        %mul3A_100 = arith.muli %add3A_98, %mul3A_99 : i32
        %dma_start3A_101 = arith.constant 1 : i32
        %dma_start3A_102 = arith.constant 1 : i32
        %dma_start3A_103 = arith.constant 0 : i32
        %dma_start3A_104 = arith.constant 0 : i32
        %dma_start3A_105 = tpu.memref_slice %arg7[%dma_start3A_101, %dma_start3A_103, %dma_start3A_104] : memref<2x128x32xf32, #tpu.memory_space<vmem>> -> memref<1x128x32xf32, #tpu.memory_space<vmem>>
        %dma_start3A_106 = tpu.memref_squeeze %dma_start3A_105 : memref<1x128x32xf32, #tpu.memory_space<vmem>> -> memref<128x32xf32, #tpu.memory_space<vmem>>
        %dma_start3A_107 = tpu.memref_slice %arg6[%mul3A_100] : memref<1024xi32, #tpu.memory_space<vmem>> -> memref<128xi32, #tpu.memory_space<vmem>>
        %dma_start3A_108 = arith.constant 0 : i32
        %dma_start3A_109 = arith.constant 0 : i32
        %dma_start3A_110 = tpu.memref_slice %arg3[%dma_start3A_108, %dma_start3A_109] : memref<1000000x32xf32, #tpu.memory_space<hbm>> -> memref<1000000x32xf32, #tpu.memory_space<hbm>>
        %dma_start3A_111 = tpu.memref_slice %arg12[%dma_start3A_102] : memref<2x!tpu.dma_semaphore, #tpu.memory_space<semaphore_mem>> -> memref<1x!tpu.dma_semaphore, #tpu.memory_space<semaphore_mem>>
        %dma_start3A_112 = tpu.memref_squeeze %dma_start3A_111 : memref<1x!tpu.dma_semaphore, #tpu.memory_space<semaphore_mem>> -> memref<!tpu.dma_semaphore, #tpu.memory_space<semaphore_mem>>
        tpu.enqueue_indirect_dma source(%dma_start3A_110 : memref<1000000x32xf32, #tpu.memory_space<hbm>>) target(%dma_start3A_106 : memref<128x32xf32, #tpu.memory_space<vmem>>) offsets(%dma_start3A_107 : memref<128xi32, #tpu.memory_space<vmem>>) semaphore(%dma_start3A_112 : memref<!tpu.dma_semaphore, #tpu.memory_space<semaphore_mem>>)
        %dma_wait3A = arith.constant 0 : i32
        %dma_wait3A_113 = arith.constant 0 : i32
        %dma_wait3A_114 = arith.constant 0 : i32
        %dma_wait3A_115 = arith.constant 0 : i32
        %dma_wait3A_116 = tpu.memref_slice %arg7[%dma_wait3A, %dma_wait3A_114, %dma_wait3A_115] : memref<2x128x32xf32, #tpu.memory_space<vmem>> -> memref<1x128x32xf32, #tpu.memory_space<vmem>>
        %dma_wait3A_117 = tpu.memref_squeeze %dma_wait3A_116 : memref<1x128x32xf32, #tpu.memory_space<vmem>> -> memref<128x32xf32, #tpu.memory_space<vmem>>
        %dma_wait3A_118 = arith.constant 0 : i32
        %dma_wait3A_119 = tpu.memref_slice %arg6[%dma_wait3A_118] : memref<1024xi32, #tpu.memory_space<vmem>> -> memref<128xi32, #tpu.memory_space<vmem>>
        %dma_wait3A_120 = arith.constant 0 : i32
        %dma_wait3A_121 = arith.constant 0 : i32
        %dma_wait3A_122 = tpu.memref_slice %arg3[%dma_wait3A_120, %dma_wait3A_121] : memref<1000000x32xf32, #tpu.memory_space<hbm>> -> memref<1000000x32xf32, #tpu.memory_space<hbm>>
        %dma_wait3A_123 = tpu.memref_slice %arg12[%dma_wait3A_113] : memref<2x!tpu.dma_semaphore, #tpu.memory_space<semaphore_mem>> -> memref<1x!tpu.dma_semaphore, #tpu.memory_space<semaphore_mem>>
        %dma_wait3A_124 = tpu.memref_squeeze %dma_wait3A_123 : memref<1x!tpu.dma_semaphore, #tpu.memory_space<semaphore_mem>> -> memref<!tpu.dma_semaphore, #tpu.memory_space<semaphore_mem>>
        tpu.wait_indirect_dma semaphore(%dma_wait3A_124 : memref<!tpu.dma_semaphore, #tpu.memory_space<semaphore_mem>>) src(%dma_wait3A_122 : memref<1000000x32xf32, #tpu.memory_space<hbm>>) dst(%dma_wait3A_117 : memref<128x32xf32, #tpu.memory_space<vmem>>)
        %scan3A_125 = arith.constant 0 : i32
        %scan3A_126 = arith.constant 0 : i32
        %scan3A_127 = arith.constant 32 : i32
        %scan3A_128 = arith.addi %scan3A_126, %scan3A_127 : i32
        %scan3A_129 = arith.constant 1 : i32
        %scan3A_130:8 = scf.for %scan3A_159 = %scan3A_126 to %scan3A_128 step %scan3A_129 iter_args(%scan3A_160 = %scan3A_87, %scan3A_161 = %scan3A_88, %scan3A_162 = %scan3A_89, %scan3A_163 = %scan3A_90, %scan3A_164 = %scan3A_91, %scan3A_165 = %scan3A_92, %scan3A_166 = %scan3A_93, %scan3A_167 = %scan3A_94) -> (vector<16xf32>, vector<16xf32>, vector<16xf32>, vector<16xf32>, vector<16xf32>, vector<16xf32>, vector<16xf32>, vector<16xf32>)  : i32 {
          %mul3A_168 = arith.constant 4 : i32
          %mul3A_169 = arith.muli %scan3A_159, %mul3A_168 : i32
          %get3A_170 = arith.constant 0 : i32
          %get3A_171 = arith.constant 0 : i32
          %get3A_172 = tpu.memref_slice %arg7[%scan3A_125, %get3A_170, %get3A_171] : memref<2x128x32xf32, #tpu.memory_space<vmem>> -> memref<1x128x32xf32, #tpu.memory_space<vmem>>
          %get3A_173 = tpu.memref_squeeze %get3A_172 : memref<1x128x32xf32, #tpu.memory_space<vmem>> -> memref<128x32xf32, #tpu.memory_space<vmem>>
          %get3A_174 = arith.index_cast %mul3A_169 : i32 to index
          %get3A_175 = arith.constant 0 : index
          %get3A_176 = tpu.vector_load %get3A_173[%get3A_174, %get3A_175] {strides = array<i32>} : memref<128x32xf32, #tpu.memory_space<vmem>>, vector<16xf32>,
          %add3A_177 = arith.addf %scan3A_160, %get3A_176 : vector<16xf32>
          %get3A_178 = arith.constant 0 : i32
          %get3A_179 = arith.constant 0 : i32
          %get3A_180 = tpu.memref_slice %arg7[%scan3A_125, %get3A_178, %get3A_179] : memref<2x128x32xf32, #tpu.memory_space<vmem>> -> memref<1x128x32xf32, #tpu.memory_space<vmem>>
          %get3A_181 = tpu.memref_squeeze %get3A_180 : memref<1x128x32xf32, #tpu.memory_space<vmem>> -> memref<128x32xf32, #tpu.memory_space<vmem>>
          %get3A_182 = arith.index_cast %mul3A_169 : i32 to index
          %get3A_183 = arith.constant 16 : index
          %get3A_184 = tpu.vector_load %get3A_181[%get3A_182, %get3A_183] {strides = array<i32>} : memref<128x32xf32, #tpu.memory_space<vmem>>, vector<16xf32>,
          %add3A_185 = arith.addf %scan3A_161, %get3A_184 : vector<16xf32>
          %add3A_186 = arith.constant 1 : i32
          %add3A_187 = arith.addi %mul3A_169, %add3A_186 : i32
          %get3A_188 = arith.constant 0 : i32
          %get3A_189 = arith.constant 0 : i32
          %get3A_190 = tpu.memref_slice %arg7[%scan3A_125, %get3A_188, %get3A_189] : memref<2x128x32xf32, #tpu.memory_space<vmem>> -> memref<1x128x32xf32, #tpu.memory_space<vmem>>
          %get3A_191 = tpu.memref_squeeze %get3A_190 : memref<1x128x32xf32, #tpu.memory_space<vmem>> -> memref<128x32xf32, #tpu.memory_space<vmem>>
          %get3A_192 = arith.index_cast %add3A_187 : i32 to index
          %get3A_193 = arith.constant 0 : index
          %get3A_194 = tpu.vector_load %get3A_191[%get3A_192, %get3A_193] {strides = array<i32>} : memref<128x32xf32, #tpu.memory_space<vmem>>, vector<16xf32>,
          %add3A_195 = arith.addf %scan3A_162, %get3A_194 : vector<16xf32>
          %add3A_196 = arith.constant 1 : i32
          %add3A_197 = arith.addi %mul3A_169, %add3A_196 : i32
          %get3A_198 = arith.constant 0 : i32
          %get3A_199 = arith.constant 0 : i32
          %get3A_200 = tpu.memref_slice %arg7[%scan3A_125, %get3A_198, %get3A_199] : memref<2x128x32xf32, #tpu.memory_space<vmem>> -> memref<1x128x32xf32, #tpu.memory_space<vmem>>
          %get3A_201 = tpu.memref_squeeze %get3A_200 : memref<1x128x32xf32, #tpu.memory_space<vmem>> -> memref<128x32xf32, #tpu.memory_space<vmem>>
          %get3A_202 = arith.index_cast %add3A_197 : i32 to index
          %get3A_203 = arith.constant 16 : index
          %get3A_204 = tpu.vector_load %get3A_201[%get3A_202, %get3A_203] {strides = array<i32>} : memref<128x32xf32, #tpu.memory_space<vmem>>, vector<16xf32>,
          %add3A_205 = arith.addf %scan3A_163, %get3A_204 : vector<16xf32>
          %add3A_206 = arith.constant 2 : i32
          %add3A_207 = arith.addi %mul3A_169, %add3A_206 : i32
          %get3A_208 = arith.constant 0 : i32
          %get3A_209 = arith.constant 0 : i32
          %get3A_210 = tpu.memref_slice %arg7[%scan3A_125, %get3A_208, %get3A_209] : memref<2x128x32xf32, #tpu.memory_space<vmem>> -> memref<1x128x32xf32, #tpu.memory_space<vmem>>
          %get3A_211 = tpu.memref_squeeze %get3A_210 : memref<1x128x32xf32, #tpu.memory_space<vmem>> -> memref<128x32xf32, #tpu.memory_space<vmem>>
          %get3A_212 = arith.index_cast %add3A_207 : i32 to index
          %get3A_213 = arith.constant 0 : index
          %get3A_214 = tpu.vector_load %get3A_211[%get3A_212, %get3A_213] {strides = array<i32>} : memref<128x32xf32, #tpu.memory_space<vmem>>, vector<16xf32>,
          %add3A_215 = arith.addf %scan3A_164, %get3A_214 : vector<16xf32>
          %add3A_216 = arith.constant 2 : i32
          %add3A_217 = arith.addi %mul3A_169, %add3A_216 : i32
          %get3A_218 = arith.constant 0 : i32
          %get3A_219 = arith.constant 0 : i32
          %get3A_220 = tpu.memref_slice %arg7[%scan3A_125, %get3A_218, %get3A_219] : memref<2x128x32xf32, #tpu.memory_space<vmem>> -> memref<1x128x32xf32, #tpu.memory_space<vmem>>
          %get3A_221 = tpu.memref_squeeze %get3A_220 : memref<1x128x32xf32, #tpu.memory_space<vmem>> -> memref<128x32xf32, #tpu.memory_space<vmem>>
          %get3A_222 = arith.index_cast %add3A_217 : i32 to index
          %get3A_223 = arith.constant 16 : index
          %get3A_224 = tpu.vector_load %get3A_221[%get3A_222, %get3A_223] {strides = array<i32>} : memref<128x32xf32, #tpu.memory_space<vmem>>, vector<16xf32>,
          %add3A_225 = arith.addf %scan3A_165, %get3A_224 : vector<16xf32>
          %add3A_226 = arith.constant 3 : i32
          %add3A_227 = arith.addi %mul3A_169, %add3A_226 : i32
          %get3A_228 = arith.constant 0 : i32
          %get3A_229 = arith.constant 0 : i32
          %get3A_230 = tpu.memref_slice %arg7[%scan3A_125, %get3A_228, %get3A_229] : memref<2x128x32xf32, #tpu.memory_space<vmem>> -> memref<1x128x32xf32, #tpu.memory_space<vmem>>
          %get3A_231 = tpu.memref_squeeze %get3A_230 : memref<1x128x32xf32, #tpu.memory_space<vmem>> -> memref<128x32xf32, #tpu.memory_space<vmem>>
          %get3A_232 = arith.index_cast %add3A_227 : i32 to index
          %get3A_233 = arith.constant 0 : index
          %get3A_234 = tpu.vector_load %get3A_231[%get3A_232, %get3A_233] {strides = array<i32>} : memref<128x32xf32, #tpu.memory_space<vmem>>, vector<16xf32>,
          %add3A_235 = arith.addf %scan3A_166, %get3A_234 : vector<16xf32>
          %add3A_236 = arith.constant 3 : i32
          %add3A_237 = arith.addi %mul3A_169, %add3A_236 : i32
          %get3A_238 = arith.constant 0 : i32
          %get3A_239 = arith.constant 0 : i32
          %get3A_240 = tpu.memref_slice %arg7[%scan3A_125, %get3A_238, %get3A_239] : memref<2x128x32xf32, #tpu.memory_space<vmem>> -> memref<1x128x32xf32, #tpu.memory_space<vmem>>
          %get3A_241 = tpu.memref_squeeze %get3A_240 : memref<1x128x32xf32, #tpu.memory_space<vmem>> -> memref<128x32xf32, #tpu.memory_space<vmem>>
          %get3A_242 = arith.index_cast %add3A_237 : i32 to index
          %get3A_243 = arith.constant 16 : index
          %get3A_244 = tpu.vector_load %get3A_241[%get3A_242, %get3A_243] {strides = array<i32>} : memref<128x32xf32, #tpu.memory_space<vmem>>, vector<16xf32>,
          %add3A_245 = arith.addf %scan3A_167, %get3A_244 : vector<16xf32>
          scf.yield %add3A_177, %add3A_185, %add3A_195, %add3A_205, %add3A_215, %add3A_225, %add3A_235, %add3A_245 : vector<16xf32>, vector<16xf32>, vector<16xf32>, vector<16xf32>, vector<16xf32>, vector<16xf32>, vector<16xf32>, vector<16xf32>
        }
        %scan3A_131 = arith.constant 32 : i32
        %add3A_132 = arith.constant 2 : i32
        %add3A_133 = arith.addi %mul3A_96, %add3A_132 : i32
        %lt3A_134 = arith.constant 8 : i32
        %lt3A_135 = arith.cmpi slt, %add3A_133, %lt3A_134 : i32
        %convert_element_type3A_136 = arith.extui %lt3A_135 : i1 to i32
        %cond3A_137 = arith.constant 0 : i32
        %cond3A_138 = arith.cmpi ne, %convert_element_type3A_136, %cond3A_137 : i32
        scf.if %cond3A_138 {
          %add3A_159 = arith.constant 2 : i32
          %add3A_160 = arith.addi %mul3A_96, %add3A_159 : i32
          %mul3A_161 = arith.constant 128 : i32
          %mul3A_162 = arith.muli %add3A_160, %mul3A_161 : i32
          %dma_start3A_163 = arith.constant 0 : i32
          %dma_start3A_164 = arith.constant 0 : i32
          %dma_start3A_165 = arith.constant 0 : i32
          %dma_start3A_166 = arith.constant 0 : i32
          %dma_start3A_167 = tpu.memref_slice %arg7[%dma_start3A_163, %dma_start3A_165, %dma_start3A_166] : memref<2x128x32xf32, #tpu.memory_space<vmem>> -> memref<1x128x32xf32, #tpu.memory_space<vmem>>
          %dma_start3A_168 = tpu.memref_squeeze %dma_start3A_167 : memref<1x128x32xf32, #tpu.memory_space<vmem>> -> memref<128x32xf32, #tpu.memory_space<vmem>>
          %dma_start3A_169 = tpu.memref_slice %arg6[%mul3A_162] : memref<1024xi32, #tpu.memory_space<vmem>> -> memref<128xi32, #tpu.memory_space<vmem>>
          %dma_start3A_170 = arith.constant 0 : i32
          %dma_start3A_171 = arith.constant 0 : i32
          %dma_start3A_172 = tpu.memref_slice %arg3[%dma_start3A_170, %dma_start3A_171] : memref<1000000x32xf32, #tpu.memory_space<hbm>> -> memref<1000000x32xf32, #tpu.memory_space<hbm>>
          %dma_start3A_173 = tpu.memref_slice %arg12[%dma_start3A_164] : memref<2x!tpu.dma_semaphore, #tpu.memory_space<semaphore_mem>> -> memref<1x!tpu.dma_semaphore, #tpu.memory_space<semaphore_mem>>
          %dma_start3A_174 = tpu.memref_squeeze %dma_start3A_173 : memref<1x!tpu.dma_semaphore, #tpu.memory_space<semaphore_mem>> -> memref<!tpu.dma_semaphore, #tpu.memory_space<semaphore_mem>>
          tpu.enqueue_indirect_dma source(%dma_start3A_172 : memref<1000000x32xf32, #tpu.memory_space<hbm>>) target(%dma_start3A_168 : memref<128x32xf32, #tpu.memory_space<vmem>>) offsets(%dma_start3A_169 : memref<128xi32, #tpu.memory_space<vmem>>) semaphore(%dma_start3A_174 : memref<!tpu.dma_semaphore, #tpu.memory_space<semaphore_mem>>)
        } else {
        }
        %dma_wait3A_139 = arith.constant 1 : i32
        %dma_wait3A_140 = arith.constant 1 : i32
        %dma_wait3A_141 = arith.constant 0 : i32
        %dma_wait3A_142 = arith.constant 0 : i32
        %dma_wait3A_143 = tpu.memref_slice %arg7[%dma_wait3A_139, %dma_wait3A_141, %dma_wait3A_142] : memref<2x128x32xf32, #tpu.memory_space<vmem>> -> memref<1x128x32xf32, #tpu.memory_space<vmem>>
        %dma_wait3A_144 = tpu.memref_squeeze %dma_wait3A_143 : memref<1x128x32xf32, #tpu.memory_space<vmem>> -> memref<128x32xf32, #tpu.memory_space<vmem>>
        %dma_wait3A_145 = arith.constant 0 : i32
        %dma_wait3A_146 = tpu.memref_slice %arg6[%dma_wait3A_145] : memref<1024xi32, #tpu.memory_space<vmem>> -> memref<128xi32, #tpu.memory_space<vmem>>
        %dma_wait3A_147 = arith.constant 0 : i32
        %dma_wait3A_148 = arith.constant 0 : i32
        %dma_wait3A_149 = tpu.memref_slice %arg3[%dma_wait3A_147, %dma_wait3A_148] : memref<1000000x32xf32, #tpu.memory_space<hbm>> -> memref<1000000x32xf32, #tpu.memory_space<hbm>>
        %dma_wait3A_150 = tpu.memref_slice %arg12[%dma_wait3A_140] : memref<2x!tpu.dma_semaphore, #tpu.memory_space<semaphore_mem>> -> memref<1x!tpu.dma_semaphore, #tpu.memory_space<semaphore_mem>>
        %dma_wait3A_151 = tpu.memref_squeeze %dma_wait3A_150 : memref<1x!tpu.dma_semaphore, #tpu.memory_space<semaphore_mem>> -> memref<!tpu.dma_semaphore, #tpu.memory_space<semaphore_mem>>
        tpu.wait_indirect_dma semaphore(%dma_wait3A_151 : memref<!tpu.dma_semaphore, #tpu.memory_space<semaphore_mem>>) src(%dma_wait3A_149 : memref<1000000x32xf32, #tpu.memory_space<hbm>>) dst(%dma_wait3A_144 : memref<128x32xf32, #tpu.memory_space<vmem>>)
        %scan3A_152 = arith.constant 1 : i32
        %scan3A_153 = arith.constant 0 : i32
        %scan3A_154 = arith.constant 32 : i32
        %scan3A_155 = arith.addi %scan3A_153, %scan3A_154 : i32
        %scan3A_156 = arith.constant 1 : i32
        %scan3A_157:8 = scf.for %scan3A_159 = %scan3A_153 to %scan3A_155 step %scan3A_156 iter_args(%scan3A_160 = %scan3A_130#0, %scan3A_161 = %scan3A_130#1, %scan3A_162 = %scan3A_130#2, %scan3A_163 = %scan3A_130#3, %scan3A_164 = %scan3A_130#4, %scan3A_165 = %scan3A_130#5, %scan3A_166 = %scan3A_130#6, %scan3A_167 = %scan3A_130#7) -> (vector<16xf32>, vector<16xf32>, vector<16xf32>, vector<16xf32>, vector<16xf32>, vector<16xf32>, vector<16xf32>, vector<16xf32>)  : i32 {
          %mul3A_168 = arith.constant 4 : i32
          %mul3A_169 = arith.muli %scan3A_159, %mul3A_168 : i32
          %get3A_170 = arith.constant 0 : i32
          %get3A_171 = arith.constant 0 : i32
          %get3A_172 = tpu.memref_slice %arg7[%scan3A_152, %get3A_170, %get3A_171] : memref<2x128x32xf32, #tpu.memory_space<vmem>> -> memref<1x128x32xf32, #tpu.memory_space<vmem>>
          %get3A_173 = tpu.memref_squeeze %get3A_172 : memref<1x128x32xf32, #tpu.memory_space<vmem>> -> memref<128x32xf32, #tpu.memory_space<vmem>>
          %get3A_174 = arith.index_cast %mul3A_169 : i32 to index
          %get3A_175 = arith.constant 0 : index
          %get3A_176 = tpu.vector_load %get3A_173[%get3A_174, %get3A_175] {strides = array<i32>} : memref<128x32xf32, #tpu.memory_space<vmem>>, vector<16xf32>,
          %add3A_177 = arith.addf %scan3A_160, %get3A_176 : vector<16xf32>
          %get3A_178 = arith.constant 0 : i32
          %get3A_179 = arith.constant 0 : i32
          %get3A_180 = tpu.memref_slice %arg7[%scan3A_152, %get3A_178, %get3A_179] : memref<2x128x32xf32, #tpu.memory_space<vmem>> -> memref<1x128x32xf32, #tpu.memory_space<vmem>>
          %get3A_181 = tpu.memref_squeeze %get3A_180 : memref<1x128x32xf32, #tpu.memory_space<vmem>> -> memref<128x32xf32, #tpu.memory_space<vmem>>
          %get3A_182 = arith.index_cast %mul3A_169 : i32 to index
          %get3A_183 = arith.constant 16 : index
          %get3A_184 = tpu.vector_load %get3A_181[%get3A_182, %get3A_183] {strides = array<i32>} : memref<128x32xf32, #tpu.memory_space<vmem>>, vector<16xf32>,
          %add3A_185 = arith.addf %scan3A_161, %get3A_184 : vector<16xf32>
          %add3A_186 = arith.constant 1 : i32
          %add3A_187 = arith.addi %mul3A_169, %add3A_186 : i32
          %get3A_188 = arith.constant 0 : i32
          %get3A_189 = arith.constant 0 : i32
          %get3A_190 = tpu.memref_slice %arg7[%scan3A_152, %get3A_188, %get3A_189] : memref<2x128x32xf32, #tpu.memory_space<vmem>> -> memref<1x128x32xf32, #tpu.memory_space<vmem>>
          %get3A_191 = tpu.memref_squeeze %get3A_190 : memref<1x128x32xf32, #tpu.memory_space<vmem>> -> memref<128x32xf32, #tpu.memory_space<vmem>>
          %get3A_192 = arith.index_cast %add3A_187 : i32 to index
          %get3A_193 = arith.constant 0 : index
          %get3A_194 = tpu.vector_load %get3A_191[%get3A_192, %get3A_193] {strides = array<i32>} : memref<128x32xf32, #tpu.memory_space<vmem>>, vector<16xf32>,
          %add3A_195 = arith.addf %scan3A_162, %get3A_194 : vector<16xf32>
          %add3A_196 = arith.constant 1 : i32
          %add3A_197 = arith.addi %mul3A_169, %add3A_196 : i32
          %get3A_198 = arith.constant 0 : i32
          %get3A_199 = arith.constant 0 : i32
          %get3A_200 = tpu.memref_slice %arg7[%scan3A_152, %get3A_198, %get3A_199] : memref<2x128x32xf32, #tpu.memory_space<vmem>> -> memref<1x128x32xf32, #tpu.memory_space<vmem>>
          %get3A_201 = tpu.memref_squeeze %get3A_200 : memref<1x128x32xf32, #tpu.memory_space<vmem>> -> memref<128x32xf32, #tpu.memory_space<vmem>>
          %get3A_202 = arith.index_cast %add3A_197 : i32 to index
          %get3A_203 = arith.constant 16 : index
          %get3A_204 = tpu.vector_load %get3A_201[%get3A_202, %get3A_203] {strides = array<i32>} : memref<128x32xf32, #tpu.memory_space<vmem>>, vector<16xf32>,
          %add3A_205 = arith.addf %scan3A_163, %get3A_204 : vector<16xf32>
          %add3A_206 = arith.constant 2 : i32
          %add3A_207 = arith.addi %mul3A_169, %add3A_206 : i32
          %get3A_208 = arith.constant 0 : i32
          %get3A_209 = arith.constant 0 : i32
          %get3A_210 = tpu.memref_slice %arg7[%scan3A_152, %get3A_208, %get3A_209] : memref<2x128x32xf32, #tpu.memory_space<vmem>> -> memref<1x128x32xf32, #tpu.memory_space<vmem>>
          %get3A_211 = tpu.memref_squeeze %get3A_210 : memref<1x128x32xf32, #tpu.memory_space<vmem>> -> memref<128x32xf32, #tpu.memory_space<vmem>>
          %get3A_212 = arith.index_cast %add3A_207 : i32 to index
          %get3A_213 = arith.constant 0 : index
          %get3A_214 = tpu.vector_load %get3A_211[%get3A_212, %get3A_213] {strides = array<i32>} : memref<128x32xf32, #tpu.memory_space<vmem>>, vector<16xf32>,
          %add3A_215 = arith.addf %scan3A_164, %get3A_214 : vector<16xf32>
          %add3A_216 = arith.constant 2 : i32
          %add3A_217 = arith.addi %mul3A_169, %add3A_216 : i32
          %get3A_218 = arith.constant 0 : i32
          %get3A_219 = arith.constant 0 : i32
          %get3A_220 = tpu.memref_slice %arg7[%scan3A_152, %get3A_218, %get3A_219] : memref<2x128x32xf32, #tpu.memory_space<vmem>> -> memref<1x128x32xf32, #tpu.memory_space<vmem>>
          %get3A_221 = tpu.memref_squeeze %get3A_220 : memref<1x128x32xf32, #tpu.memory_space<vmem>> -> memref<128x32xf32, #tpu.memory_space<vmem>>
          %get3A_222 = arith.index_cast %add3A_217 : i32 to index
          %get3A_223 = arith.constant 16 : index
          %get3A_224 = tpu.vector_load %get3A_221[%get3A_222, %get3A_223] {strides = array<i32>} : memref<128x32xf32, #tpu.memory_space<vmem>>, vector<16xf32>,
          %add3A_225 = arith.addf %scan3A_165, %get3A_224 : vector<16xf32>
          %add3A_226 = arith.constant 3 : i32
          %add3A_227 = arith.addi %mul3A_169, %add3A_226 : i32
          %get3A_228 = arith.constant 0 : i32
          %get3A_229 = arith.constant 0 : i32
          %get3A_230 = tpu.memref_slice %arg7[%scan3A_152, %get3A_228, %get3A_229] : memref<2x128x32xf32, #tpu.memory_space<vmem>> -> memref<1x128x32xf32, #tpu.memory_space<vmem>>
          %get3A_231 = tpu.memref_squeeze %get3A_230 : memref<1x128x32xf32, #tpu.memory_space<vmem>> -> memref<128x32xf32, #tpu.memory_space<vmem>>
          %get3A_232 = arith.index_cast %add3A_227 : i32 to index
          %get3A_233 = arith.constant 0 : index
          %get3A_234 = tpu.vector_load %get3A_231[%get3A_232, %get3A_233] {strides = array<i32>} : memref<128x32xf32, #tpu.memory_space<vmem>>, vector<16xf32>,
          %add3A_235 = arith.addf %scan3A_166, %get3A_234 : vector<16xf32>
          %add3A_236 = arith.constant 3 : i32
          %add3A_237 = arith.addi %mul3A_169, %add3A_236 : i32
          %get3A_238 = arith.constant 0 : i32
          %get3A_239 = arith.constant 0 : i32
          %get3A_240 = tpu.memref_slice %arg7[%scan3A_152, %get3A_238, %get3A_239] : memref<2x128x32xf32, #tpu.memory_space<vmem>> -> memref<1x128x32xf32, #tpu.memory_space<vmem>>
          %get3A_241 = tpu.memref_squeeze %get3A_240 : memref<1x128x32xf32, #tpu.memory_space<vmem>> -> memref<128x32xf32, #tpu.memory_space<vmem>>
          %get3A_242 = arith.index_cast %add3A_237 : i32 to index
          %get3A_243 = arith.constant 16 : index
          %get3A_244 = tpu.vector_load %get3A_241[%get3A_242, %get3A_243] {strides = array<i32>} : memref<128x32xf32, #tpu.memory_space<vmem>>, vector<16xf32>,
          %add3A_245 = arith.addf %scan3A_167, %get3A_244 : vector<16xf32>
          scf.yield %add3A_177, %add3A_185, %add3A_195, %add3A_205, %add3A_215, %add3A_225, %add3A_235, %add3A_245 : vector<16xf32>, vector<16xf32>, vector<16xf32>, vector<16xf32>, vector<16xf32>, vector<16xf32>, vector<16xf32>, vector<16xf32>
        }
        %scan3A_158 = arith.constant 32 : i32
        scf.yield %scan3A_157#0, %scan3A_157#1, %scan3A_157#2, %scan3A_157#3, %scan3A_157#4, %scan3A_157#5, %scan3A_157#6, %scan3A_157#7 : vector<16xf32>, vector<16xf32>, vector<16xf32>, vector<16xf32>, vector<16xf32>, vector<16xf32>, vector<16xf32>, vector<16xf32>
      }
      %scan3A_72 = arith.constant 4 : i32
      %add3A_73 = arith.addf %scan3A_71#0, %scan3A_71#2 : vector<16xf32>
      %add3A_74 = arith.addf %scan3A_71#4, %scan3A_71#6 : vector<16xf32>
      %add3A_75 = arith.addf %add3A_73, %add3A_74 : vector<16xf32>
      %swap3A_76 = arith.index_cast %scan3A_42 : i32 to index
      %swap3A_77 = arith.constant 0 : index
      %swap3A_78 = tpu.vector_load %arg8[%swap3A_76, %swap3A_77] {strides = array<i32>} : memref<32x32xf32, #tpu.memory_space<vmem>>, vector<16xf32>,
      tpu.vector_store %arg8[%swap3A_76, %swap3A_77], %add3A_75 {strides = array<i32>} : memref<32x32xf32, #tpu.memory_space<vmem>>, vector<16xf32>,
      %add3A_79 = arith.addf %scan3A_71#1, %scan3A_71#3 : vector<16xf32>
      %add3A_80 = arith.addf %scan3A_71#5, %scan3A_71#7 : vector<16xf32>
      %add3A_81 = arith.addf %add3A_79, %add3A_80 : vector<16xf32>
      %swap3A_82 = arith.index_cast %scan3A_42 : i32 to index
      %swap3A_83 = arith.constant 16 : index
      %swap3A_84 = tpu.vector_load %arg8[%swap3A_82, %swap3A_83] {strides = array<i32>} : memref<32x32xf32, #tpu.memory_space<vmem>>, vector<16xf32>,
      tpu.vector_store %arg8[%swap3A_82, %swap3A_83], %add3A_81 {strides = array<i32>} : memref<32x32xf32, #tpu.memory_space<vmem>>, vector<16xf32>,
      %scan3A_85 = arith.constant 0 : i32
      scf.yield %scan3A_85 : i32
    }
    %scan3A_11 = arith.constant 25 : i32
    %eq3A = arith.constant 0 : i32
    %eq3A_12 = arith.cmpi eq, %arg1, %eq3A : i32
    %convert_element_type3A = arith.extui %eq3A_12 : i1 to i32
    %cond3A = arith.constant 0 : i32
    %cond3A_13 = arith.cmpi ne, %convert_element_type3A, %cond3A : i32
    scf.if %cond3A_13 {
      "tpu.region"() ({
        %run_scoped3A = tpu.sem_alloc : memref<!tpu.dma_semaphore, #tpu.memory_space<semaphore_mem>>
        tpu.enqueue_dma source(%arg8 : memref<32x32xf32, #tpu.memory_space<vmem>>) target(%arg11 : memref<32x32xf32, #tpu.memory_space<vmem_shared>>) target_semaphore(%run_scoped3A : memref<!tpu.dma_semaphore, #tpu.memory_space<semaphore_mem>>)
        tpu.wait_dma2 semaphore(%run_scoped3A : memref<!tpu.dma_semaphore, #tpu.memory_space<semaphore_mem>>) src(%arg8 : memref<32x32xf32, #tpu.memory_space<vmem>>) dst(%arg11 : memref<32x32xf32, #tpu.memory_space<vmem_shared>>)
        tpu.yield
      }) : () -> ()
    } else {
    }
    %barrier3A = arith.constant 0 : index
    tpu.barrier barrier_id(%barrier3A)
    %ne3A = arith.constant 0 : i32
    %ne3A_14 = arith.cmpi ne, %arg1, %ne3A : i32
    %convert_element_type3A_15 = arith.extui %ne3A_14 : i1 to i32
    %cond3A_16 = arith.constant 0 : i32
    %cond3A_17 = arith.cmpi ne, %convert_element_type3A_15, %cond3A_16 : i32
    scf.if %cond3A_17 {
      "tpu.region"() ({
        %run_scoped3A = tpu.sem_alloc : memref<!tpu.dma_semaphore, #tpu.memory_space<semaphore_mem>>
        %dma_start3A = arith.constant 0 : i32
        %dma_start3A_42 = arith.constant 0 : i32
        %dma_start3A_43 = tpu.memref_slice %arg11[%dma_start3A, %dma_start3A_42] : memref<32x32xf32, #tpu.memory_space<vmem_shared>> -> memref<32x32xf32, #tpu.memory_space<vmem_shared>>
        tpu.enqueue_indirect_dma source(%arg8 : memref<32x32xf32, #tpu.memory_space<vmem>>) target(%dma_start3A_43 : memref<32x32xf32, #tpu.memory_space<vmem_shared>>) offsets(%arg9 : memref<32xi32, #tpu.memory_space<vmem>>) semaphore(%run_scoped3A : memref<!tpu.dma_semaphore, #tpu.memory_space<semaphore_mem>>) {add = true}
        %dma_wait3A = arith.constant 0 : i32
        %dma_wait3A_44 = arith.constant 0 : i32
        %dma_wait3A_45 = tpu.memref_slice %arg11[%dma_wait3A, %dma_wait3A_44] : memref<32x32xf32, #tpu.memory_space<vmem_shared>> -> memref<32x32xf32, #tpu.memory_space<vmem_shared>>
        tpu.wait_indirect_dma semaphore(%run_scoped3A : memref<!tpu.dma_semaphore, #tpu.memory_space<semaphore_mem>>) src(%arg8 : memref<32x32xf32, #tpu.memory_space<vmem>>) dst(%dma_wait3A_45 : memref<32x32xf32, #tpu.memory_space<vmem_shared>>)
        tpu.yield
      }) : () -> ()
    } else {
    }
    %barrier3A_18 = arith.constant 0 : index
    tpu.barrier barrier_id(%barrier3A_18)
    "tpu.region"() ({
      %run_scoped3A = tpu.sem_alloc : memref<!tpu.dma_semaphore, #tpu.memory_space<semaphore_mem>>
      %dma_start3A = arith.constant 0 : i32
      %dma_start3A_42 = tpu.memref_slice %arg11[%arg1, %dma_start3A] : memref<32x32xf32, #tpu.memory_space<vmem_shared>> -> memref<1x32xf32, #tpu.memory_space<vmem_shared>>
      %dma_start3A_43 = tpu.memref_squeeze %dma_start3A_42 : memref<1x32xf32, #tpu.memory_space<vmem_shared>> -> memref<32xf32, #tpu.memory_space<vmem_shared>>
      %dma_start3A_44 = arith.constant 0 : i32
      %dma_start3A_45 = tpu.memref_slice %arg11[%arg1, %dma_start3A_44] : memref<32x32xf32, #tpu.memory_space<vmem_shared>> -> memref<1x32xf32, #tpu.memory_space<vmem_shared>>
      %dma_start3A_46 = tpu.memref_squeeze %dma_start3A_45 : memref<1x32xf32, #tpu.memory_space<vmem_shared>> -> memref<32xf32, #tpu.memory_space<vmem_shared>>
      tpu.enqueue_dma source(%dma_start3A_46 : memref<32xf32, #tpu.memory_space<vmem_shared>>) target(%arg10 : memref<32xf32, #tpu.memory_space<vmem>>) target_semaphore(%run_scoped3A : memref<!tpu.dma_semaphore, #tpu.memory_space<semaphore_mem>>)
      %dma_wait3A = arith.constant 0 : i32
      %dma_wait3A_47 = tpu.memref_slice %arg11[%arg1, %dma_wait3A] : memref<32x32xf32, #tpu.memory_space<vmem_shared>> -> memref<1x32xf32, #tpu.memory_space<vmem_shared>>
      %dma_wait3A_48 = tpu.memref_squeeze %dma_wait3A_47 : memref<1x32xf32, #tpu.memory_space<vmem_shared>> -> memref<32xf32, #tpu.memory_space<vmem_shared>>
      %dma_wait3A_49 = arith.constant 0 : i32
      %dma_wait3A_50 = tpu.memref_slice %arg11[%arg1, %dma_wait3A_49] : memref<32x32xf32, #tpu.memory_space<vmem_shared>> -> memref<1x32xf32, #tpu.memory_space<vmem_shared>>
      %dma_wait3A_51 = tpu.memref_squeeze %dma_wait3A_50 : memref<1x32xf32, #tpu.memory_space<vmem_shared>> -> memref<32xf32, #tpu.memory_space<vmem_shared>>
      tpu.wait_dma2 semaphore(%run_scoped3A : memref<!tpu.dma_semaphore, #tpu.memory_space<semaphore_mem>>) src(%dma_wait3A_51 : memref<32xf32, #tpu.memory_space<vmem_shared>>) dst(%arg10 : memref<32xf32, #tpu.memory_space<vmem>>)
      tpu.yield
    }) : () -> ()
    %get3A = arith.constant 0 : index
    %get3A_19 = tpu.vector_load %arg10[%get3A] {strides = array<i32>} : memref<32xf32, #tpu.memory_space<vmem>>, vector<16xf32>,
    %mul3A_20 = arith.constant 6.10351563E-5 : f32
    %mul3A_21 = vector.broadcast %mul3A_20 : f32 to vector<16xf32>
    %mul3A_22 = arith.mulf %get3A_19, %mul3A_21 : vector<16xf32>
    %swap3A_23 = arith.constant 0 : index
    %swap3A_24 = tpu.vector_load %arg10[%swap3A_23] {strides = array<i32>} : memref<32xf32, #tpu.memory_space<vmem>>, vector<16xf32>,
    tpu.vector_store %arg10[%swap3A_23], %mul3A_22 {strides = array<i32>} : memref<32xf32, #tpu.memory_space<vmem>>, vector<16xf32>,
    %get3A_25 = arith.constant 16 : index
    %get3A_26 = tpu.vector_load %arg10[%get3A_25] {strides = array<i32>} : memref<32xf32, #tpu.memory_space<vmem>>, vector<16xf32>,
    %mul3A_27 = arith.constant 6.10351563E-5 : f32
    %mul3A_28 = vector.broadcast %mul3A_27 : f32 to vector<16xf32>
    %mul3A_29 = arith.mulf %get3A_26, %mul3A_28 : vector<16xf32>
    %swap3A_30 = arith.constant 16 : index
    %swap3A_31 = tpu.vector_load %arg10[%swap3A_30] {strides = array<i32>} : memref<32xf32, #tpu.memory_space<vmem>>, vector<16xf32>,
    tpu.vector_store %arg10[%swap3A_30], %mul3A_29 {strides = array<i32>} : memref<32xf32, #tpu.memory_space<vmem>>, vector<16xf32>,
    %mul3A_32 = arith.constant 2 : i32
    %mul3A_33 = arith.muli %mul3A_32, %arg1 : i32
    %add3A_34 = arith.addi %mul3A_33, %arg0 : i32
    "tpu.region"() ({
      %run_scoped3A = tpu.sem_alloc : memref<!tpu.dma_semaphore, #tpu.memory_space<semaphore_mem>>
      %dma_start3A = arith.constant 0 : i32
      %dma_start3A_42 = tpu.memref_slice %arg4[%add3A_34, %dma_start3A] : memref<50x32xf32, #tpu.memory_space<hbm>> -> memref<1x32xf32, #tpu.memory_space<hbm>>
      %dma_start3A_43 = tpu.memref_squeeze %dma_start3A_42 : memref<1x32xf32, #tpu.memory_space<hbm>> -> memref<32xf32, #tpu.memory_space<hbm>>
      %dma_start3A_44 = arith.constant 0 : i32
      %dma_start3A_45 = tpu.memref_slice %arg4[%add3A_34, %dma_start3A_44] : memref<50x32xf32, #tpu.memory_space<hbm>> -> memref<1x32xf32, #tpu.memory_space<hbm>>
      %dma_start3A_46 = tpu.memref_squeeze %dma_start3A_45 : memref<1x32xf32, #tpu.memory_space<hbm>> -> memref<32xf32, #tpu.memory_space<hbm>>
      tpu.enqueue_dma source(%arg10 : memref<32xf32, #tpu.memory_space<vmem>>) target(%dma_start3A_46 : memref<32xf32, #tpu.memory_space<hbm>>) target_semaphore(%run_scoped3A : memref<!tpu.dma_semaphore, #tpu.memory_space<semaphore_mem>>)
      %dma_wait3A = arith.constant 0 : i32
      %dma_wait3A_47 = tpu.memref_slice %arg4[%add3A_34, %dma_wait3A] : memref<50x32xf32, #tpu.memory_space<hbm>> -> memref<1x32xf32, #tpu.memory_space<hbm>>
      %dma_wait3A_48 = tpu.memref_squeeze %dma_wait3A_47 : memref<1x32xf32, #tpu.memory_space<hbm>> -> memref<32xf32, #tpu.memory_space<hbm>>
      %dma_wait3A_49 = arith.constant 0 : i32
      %dma_wait3A_50 = tpu.memref_slice %arg4[%add3A_34, %dma_wait3A_49] : memref<50x32xf32, #tpu.memory_space<hbm>> -> memref<1x32xf32, #tpu.memory_space<hbm>>
      %dma_wait3A_51 = tpu.memref_squeeze %dma_wait3A_50 : memref<1x32xf32, #tpu.memory_space<hbm>> -> memref<32xf32, #tpu.memory_space<hbm>>
      tpu.wait_dma2 semaphore(%run_scoped3A : memref<!tpu.dma_semaphore, #tpu.memory_space<semaphore_mem>>) src(%arg10 : memref<32xf32, #tpu.memory_space<vmem>>) dst(%dma_wait3A_51 : memref<32xf32, #tpu.memory_space<hbm>>)
      tpu.yield
    }) : () -> ()
    %add3A_35 = arith.constant 16 : i32
    %add3A_36 = arith.addi %arg1, %add3A_35 : i32
    %lt3A = arith.constant 25 : i32
    %lt3A_37 = arith.cmpi slt, %add3A_36, %lt3A : i32
    %convert_element_type3A_38 = arith.extui %lt3A_37 : i1 to i32
    %cond3A_39 = arith.constant 6.10351563E-5 : f32
    %cond3A_40 = arith.constant 0 : i32
    %cond3A_41 = arith.cmpi ne, %convert_element_type3A_38, %cond3A_40 : i32
    scf.if %cond3A_41 {
      %add3A_42 = arith.constant 16 : i32
      %add3A_43 = arith.addi %arg1, %add3A_42 : i32
      "tpu.region"() ({
        %run_scoped3A = tpu.sem_alloc : memref<!tpu.dma_semaphore, #tpu.memory_space<semaphore_mem>>
        %dma_start3A = arith.constant 0 : i32
        %dma_start3A_59 = tpu.memref_slice %arg11[%add3A_43, %dma_start3A] : memref<32x32xf32, #tpu.memory_space<vmem_shared>> -> memref<1x32xf32, #tpu.memory_space<vmem_shared>>
        %dma_start3A_60 = tpu.memref_squeeze %dma_start3A_59 : memref<1x32xf32, #tpu.memory_space<vmem_shared>> -> memref<32xf32, #tpu.memory_space<vmem_shared>>
        %dma_start3A_61 = arith.constant 0 : i32
        %dma_start3A_62 = tpu.memref_slice %arg11[%add3A_43, %dma_start3A_61] : memref<32x32xf32, #tpu.memory_space<vmem_shared>> -> memref<1x32xf32, #tpu.memory_space<vmem_shared>>
        %dma_start3A_63 = tpu.memref_squeeze %dma_start3A_62 : memref<1x32xf32, #tpu.memory_space<vmem_shared>> -> memref<32xf32, #tpu.memory_space<vmem_shared>>
        tpu.enqueue_dma source(%dma_start3A_63 : memref<32xf32, #tpu.memory_space<vmem_shared>>) target(%arg10 : memref<32xf32, #tpu.memory_space<vmem>>) target_semaphore(%run_scoped3A : memref<!tpu.dma_semaphore, #tpu.memory_space<semaphore_mem>>)
        %dma_wait3A = arith.constant 0 : i32
        %dma_wait3A_64 = tpu.memref_slice %arg11[%add3A_43, %dma_wait3A] : memref<32x32xf32, #tpu.memory_space<vmem_shared>> -> memref<1x32xf32, #tpu.memory_space<vmem_shared>>
        %dma_wait3A_65 = tpu.memref_squeeze %dma_wait3A_64 : memref<1x32xf32, #tpu.memory_space<vmem_shared>> -> memref<32xf32, #tpu.memory_space<vmem_shared>>
        %dma_wait3A_66 = arith.constant 0 : i32
        %dma_wait3A_67 = tpu.memref_slice %arg11[%add3A_43, %dma_wait3A_66] : memref<32x32xf32, #tpu.memory_space<vmem_shared>> -> memref<1x32xf32, #tpu.memory_space<vmem_shared>>
        %dma_wait3A_68 = tpu.memref_squeeze %dma_wait3A_67 : memref<1x32xf32, #tpu.memory_space<vmem_shared>> -> memref<32xf32, #tpu.memory_space<vmem_shared>>
        tpu.wait_dma2 semaphore(%run_scoped3A : memref<!tpu.dma_semaphore, #tpu.memory_space<semaphore_mem>>) src(%dma_wait3A_68 : memref<32xf32, #tpu.memory_space<vmem_shared>>) dst(%arg10 : memref<32xf32, #tpu.memory_space<vmem>>)
        tpu.yield
      }) : () -> ()
      %get3A_44 = arith.constant 0 : index
      %get3A_45 = tpu.vector_load %arg10[%get3A_44] {strides = array<i32>} : memref<32xf32, #tpu.memory_space<vmem>>, vector<16xf32>,
      %mul3A_46 = vector.broadcast %cond3A_39 : f32 to vector<16xf32>
      %mul3A_47 = arith.mulf %get3A_45, %mul3A_46 : vector<16xf32>
      %swap3A_48 = arith.constant 0 : index
      %swap3A_49 = tpu.vector_load %arg10[%swap3A_48] {strides = array<i32>} : memref<32xf32, #tpu.memory_space<vmem>>, vector<16xf32>,
      tpu.vector_store %arg10[%swap3A_48], %mul3A_47 {strides = array<i32>} : memref<32xf32, #tpu.memory_space<vmem>>, vector<16xf32>,
      %get3A_50 = arith.constant 16 : index
      %get3A_51 = tpu.vector_load %arg10[%get3A_50] {strides = array<i32>} : memref<32xf32, #tpu.memory_space<vmem>>, vector<16xf32>,
      %mul3A_52 = vector.broadcast %cond3A_39 : f32 to vector<16xf32>
      %mul3A_53 = arith.mulf %get3A_51, %mul3A_52 : vector<16xf32>
      %swap3A_54 = arith.constant 16 : index
      %swap3A_55 = tpu.vector_load %arg10[%swap3A_54] {strides = array<i32>} : memref<32xf32, #tpu.memory_space<vmem>>, vector<16xf32>,
      tpu.vector_store %arg10[%swap3A_54], %mul3A_53 {strides = array<i32>} : memref<32xf32, #tpu.memory_space<vmem>>, vector<16xf32>,
      %mul3A_56 = arith.constant 2 : i32
      %mul3A_57 = arith.muli %mul3A_56, %add3A_43 : i32
      %add3A_58 = arith.addi %mul3A_57, %arg0 : i32
      "tpu.region"() ({
        %run_scoped3A = tpu.sem_alloc : memref<!tpu.dma_semaphore, #tpu.memory_space<semaphore_mem>>
        %dma_start3A = arith.constant 0 : i32
        %dma_start3A_59 = tpu.memref_slice %arg4[%add3A_58, %dma_start3A] : memref<50x32xf32, #tpu.memory_space<hbm>> -> memref<1x32xf32, #tpu.memory_space<hbm>>
        %dma_start3A_60 = tpu.memref_squeeze %dma_start3A_59 : memref<1x32xf32, #tpu.memory_space<hbm>> -> memref<32xf32, #tpu.memory_space<hbm>>
        %dma_start3A_61 = arith.constant 0 : i32
        %dma_start3A_62 = tpu.memref_slice %arg4[%add3A_58, %dma_start3A_61] : memref<50x32xf32, #tpu.memory_space<hbm>> -> memref<1x32xf32, #tpu.memory_space<hbm>>
        %dma_start3A_63 = tpu.memref_squeeze %dma_start3A_62 : memref<1x32xf32, #tpu.memory_space<hbm>> -> memref<32xf32, #tpu.memory_space<hbm>>
        tpu.enqueue_dma source(%arg10 : memref<32xf32, #tpu.memory_space<vmem>>) target(%dma_start3A_63 : memref<32xf32, #tpu.memory_space<hbm>>) target_semaphore(%run_scoped3A : memref<!tpu.dma_semaphore, #tpu.memory_space<semaphore_mem>>)
        %dma_wait3A = arith.constant 0 : i32
        %dma_wait3A_64 = tpu.memref_slice %arg4[%add3A_58, %dma_wait3A] : memref<50x32xf32, #tpu.memory_space<hbm>> -> memref<1x32xf32, #tpu.memory_space<hbm>>
        %dma_wait3A_65 = tpu.memref_squeeze %dma_wait3A_64 : memref<1x32xf32, #tpu.memory_space<hbm>> -> memref<32xf32, #tpu.memory_space<hbm>>
        %dma_wait3A_66 = arith.constant 0 : i32
        %dma_wait3A_67 = tpu.memref_slice %arg4[%add3A_58, %dma_wait3A_66] : memref<50x32xf32, #tpu.memory_space<hbm>> -> memref<1x32xf32, #tpu.memory_space<hbm>>
        %dma_wait3A_68 = tpu.memref_squeeze %dma_wait3A_67 : memref<1x32xf32, #tpu.memory_space<hbm>> -> memref<32xf32, #tpu.memory_space<hbm>>
        tpu.wait_dma2 semaphore(%run_scoped3A : memref<!tpu.dma_semaphore, #tpu.memory_space<semaphore_mem>>) src(%arg10 : memref<32xf32, #tpu.memory_space<vmem>>) dst(%dma_wait3A_68 : memref<32xf32, #tpu.memory_space<hbm>>)
        tpu.yield
      }) : () -> ()
    } else {
    }
    return
  }
}

</mosaic_0001>

<sc_bundles>
// kernel: kernel.3.cloned.1.call-start
scs
__scs_entry_jumppad:
0x0: {  	(pc) =	sbr.rel $0x88, $3  }
0x1: {  	(tag) =	ssettag $0x0;
	lr =	simm.s32 $0x1  }
0x2: {  	[smem:$0x3F9F] =	sst lr;
	_ =	strace $0xD0000000  }
0x3: {  	_ = 	snop  }
0x4: {  	_ = 	snop  }
0x5: {  	_ = 	snop  }
0x6: {  	_ = 	snop  }
0x7: {  	_ = 	snop  }
__scs_overlays_trampoline_lowered:
0x8: {  	[smem:$0x3FAE] =	sst s0  }
0x9: {  	[smem:$0x3FAF] =	sst s1  }
0xa: {  	[smem:$0x3FB0] =	sst s2  }
0xb: {  	[smem:$0x3FB1] =	sst s3  }
0xc: {  	[smem:$0x3FB2] =	sst s4  }
0xd: {  	[smem:$0x3FB3] =	sst s5  }
0xe: {  	[smem:$0x3FB4] =	sst s6  }
0xf: {  	[smem:$0x3FB5] =	sst s7  }
0x10: {  	[smem:$0x3FB6] =	sst s8  }
0x11: {  	[smem:$0x3FB7] =	sst s9;
	s0 =	simm.s32 @!p0 $0x0  }
0x12: {  	s1 =	sld [smem:$0x3F9D];
	s0 =	simm.s32 @p0 $0x1  }
0x13: {  	[smem:$0x3FB8] =	sst s0;
	s0 =	simm.s32 @!p1 $0x0  }
0x14: {  	s2 =	sld [smem:$0x3F9C];
	s0 =	simm.s32 @p1 $0x1  }
0x15: {  	[smem:$0x3FB9] =	sst s0;
	s0 =	simm.s32 @!p2 $0x0  }
0x16: {  	s3 =	sld [smem:$0x3FDB];
	s0 =	simm.s32 @p2 $0x1  }
0x17: {  	s4 =	simm.s32 $0x1BF5;
	[smem:$0x3FBB] =	sst s0  }
0x18: {  	s0 =	sld [smem:$0x3F9E];
	_ =	swait.ge [sflag:s4], $0x0  }
0x19: {  	s7 =	sld [smem:$0x3F9F]  }
0x1a: {  	s8 =	sadd.s32 $0xFFFFE003, lr  }
0x1b: {  	s9 =	sadd.s32 $0xFFFFFEF7, lr;
	s5 =	simm.s32 $0xFFFFFFFF;
	p2 =	slt.u32 s8, $0xFFFFF086  }
0x1c: {  	p1 =	slt.u32 s9, $0xF7A;
	s5 =	simm.s32 @!p2 $0x0  }
0x1d: {  	s5 =	simm.s32 @p1 $0x1;
	p0 =	seq.s32 s7, s2  }
0x1e: {  	s7 =	smul.u32 @!p0 $0xF7A, s2;
	p2 =	seq.s32 @!p0 s5, $0x0  }
0x1f: {  	s9 =	smul.u32 $0xF7A, s1;
	s8 =	simm.s32 @!p0 $0x1BF5;
	p2 =	por !p2, p0  }
0x20: {  	[sflag:s8] =	ssyncset.s32 @!p0 $0xFFFFF086;
	s6 =	sadd.s32 @!p0 s3, s7;
	s7 =	simm.s32 @!p0 $0x108  }
0x21: {  	s3 =	sadd.s32 s3, s9;
	s6 =	sadd.s32 @!p0 $0x88, s6;
	s7 =	simm.s32 @p2 $0x1082  }
0x22: {  	[simem:s7], [sflag:s8] =	dma.local @!p0 [hbm:s6], $0xF7A  }
0x23: {  	s9 =	sor.u32 $0xD0000000, s2;
	s6 =	simm.s32 $0x108;
	_ =	swait.ge @!p0 [sflag:s8], $0x0  }
0x24: {  	s3 =	sadd.s32 $0x88, s3;
	s6 =	simm.s32 @!p1 $0x1082;
	[sflag:s4] =	ssyncset.s32 $0xFFFFF086  }
0x25: {  	[simem:s6], [sflag:s4] =	dma.local [hbm:s3], $0xF7A  }
0x26: {  	[smem:$0x3F9F] =	sst s1;
	(tag) =	ssettag s2;
	_ =	strace s9  }
0x27: {  	s1 =	sld [smem:$0x3FAF]  }
0x28: {  	s2 =	sld [smem:$0x3FB0]  }
0x29: {  	s4 =	sld [smem:$0x3FB2]  }
0x2a: {  	p0 =	seq.s32 s5, $0x0;
	s5 =	sld [smem:$0x3FB3]  }
0x2b: {  	s6 =	sld [smem:$0x3FB4]  }
0x2c: {  	s7 =	sld [smem:$0x3FB5]  }
0x2d: {  	s3 =	simm.s32 $0x108;
	s8 =	sld [smem:$0x3FB6]  }
0x2e: {  	s3 =	simm.s32 @!p0 $0x1082;
	s9 =	sld [smem:$0x3FB7]  }
0x2f: {  	lr =	sadd.s32 s0, s3;
	s0 =	sld [smem:$0x3FAE]  }
0x30: {  	s3 =	sld [smem:$0x3FB1]  }
0x31: {  	[smem:$0x3FBA] =	sst s10  }
0x32: {  	s10 =	sld [smem:$0x3FB8];
	_ =	sdelay $0x3  }
0x33: {  	p0 =	seq.s32 s10, $0x1;
	s10 =	sld [smem:$0x3FBA];
	_ =	sdelay $0x3  }
0x34: {  	[smem:$0x3FBA] =	sst s10  }
0x35: {  	s10 =	sld [smem:$0x3FB9];
	_ =	sdelay $0x3  }
0x36: {  	p1 =	seq.s32 s10, $0x1;
	s10 =	sld [smem:$0x3FBA];
	_ =	sdelay $0x3  }
0x37: {  	[smem:$0x3FBA] =	sst s10  }
0x38: {  	s10 =	sld [smem:$0x3FBB]  }
0x39: {  	_ = 	snop;
	(pc) =	sbr.ind lr, $3  }
0x3a: {  	_ = 	snop  }
0x3b: {  	_ = 	snop  }
0x3c: {  	p2 =	seq.s32 s10, $0x1;
	s10 =	sld [smem:$0x3FBA]  }
0x3d: {  	_ =	shalt  }
0x3e: {  	_ =	shalt  }
0x3f: {  	_ =	shalt  }
0x40: {  	_ =	shalt  }
0x41: {  	_ =	shalt  }
0x42: {  	_ =	shalt  }
0x43: {  	_ =	shalt  }
0x44: {  	_ =	shalt  }
0x45: {  	_ =	shalt  }
0x46: {  	_ =	shalt  }
0x47: {  	_ =	shalt  }
0x48: {  	_ =	shalt  }
0x49: {  	_ =	shalt  }
0x4a: {  	_ =	shalt  }
0x4b: {  	_ =	shalt  }
0x4c: {  	_ =	shalt  }
0x4d: {  	_ =	shalt  }
0x4e: {  	_ =	shalt  }
0x4f: {  	_ =	shalt  }
0x50: {  	_ =	shalt  }
0x51: {  	_ =	shalt  }
0x52: {  	_ =	shalt  }
0x53: {  	_ =	shalt  }
0x54: {  	_ =	shalt  }
0x55: {  	_ =	shalt  }
0x56: {  	_ =	shalt  }
0x57: {  	_ =	shalt  }
0x58: {  	_ =	shalt  }
0x59: {  	_ =	shalt  }
0x5a: {  	_ =	shalt  }
0x5b: {  	_ =	shalt  }
0x5c: {  	_ =	shalt  }
0x5d: {  	_ =	shalt  }
0x5e: {  	_ =	shalt  }
0x5f: {  	_ =	shalt  }
0x60: {  	_ =	shalt  }
0x61: {  	_ =	shalt  }
0x62: {  	_ =	shalt  }
0x63: {  	_ =	shalt  }
0x64: {  	_ =	shalt  }
0x65: {  	_ =	shalt  }
0x66: {  	_ =	shalt  }
0x67: {  	_ =	shalt  }
0x68: {  	_ =	shalt  }
0x69: {  	_ =	shalt  }
0x6a: {  	_ =	shalt  }
0x6b: {  	_ =	shalt  }
0x6c: {  	_ =	shalt  }
0x6d: {  	_ =	shalt  }
0x6e: {  	_ =	shalt  }
0x6f: {  	_ =	shalt  }
0x70: {  	_ =	shalt  }
0x71: {  	_ =	shalt  }
0x72: {  	_ =	shalt  }
0x73: {  	_ =	shalt  }
0x74: {  	_ =	shalt  }
0x75: {  	_ =	shalt  }
0x76: {  	_ =	shalt  }
0x77: {  	_ =	shalt  }
0x78: {  	_ =	shalt  }
0x79: {  	_ =	shalt  }
0x7a: {  	_ =	shalt  }
0x7b: {  	_ =	shalt  }
0x7c: {  	_ =	shalt  }
0x7d: {  	_ =	shalt  }
0x7e: {  	_ =	shalt  }
0x7f: {  	_ =	shalt  }
0x80: {  	_ =	shalt  }
0x81: {  	_ =	shalt  }
0x82: {  	_ =	shalt  }
0x83: {  	_ =	shalt  }
0x84: {  	_ =	shalt  }
0x85: {  	_ =	shalt  }
0x86: {  	_ =	shalt  }
0x87: {  	_ =	shalt  }
.Lfunc_end0:
.L_simem_size_0:
called_computation_lowered:
.L_overlay_start_0:
0x88: {  	s2 =	sld [smem:$0x3FD9]  }
0x89: {  	s3 =	sld [smem:$0x3FFE];
	_ =	sdelay $0x1  }
0x8a: {  	s1 =	srdreg.scid  }
0x8b: {  	s0 =	sand.u32 $0x1, s1  }
0x8c: {  	s17 =	sshll.u32 s0, $0xA;
	s2 =	sadd.s32 s3, s2  }
0x8d: {  	s2 =	sadd.s32 s2, s17  }
0x8e: {  	[smem:$0x3FC6] =	sst s2  }
0x8f: {  	_ = 	snop  }
0x90: {  	s2 =	sld [smem:$0x3FD0];
	(tm) =	ssettm $0x1  }
0x91: {  	s18 =	sld [smem:$0x3FFB];
	_ =	sdelay $0x3  }
0x92: {  	_ =	strace s18  }
0x93: {  	s3 =	sld [smem:$0x3FFC];
	_ =	sdelay $0x3  }
0x94: {  	_ =	strace s3  }
0x95: {  	s3 =	sld [smem:$0x3FFD];
	_ =	sdelay $0x3  }
0x96: {  	_ =	strace s3  }
0x97: {  	_ =	strace $0x8FFFFFFF  }
0x98: {  	s19 =	sld [smem:$0x3FDB];
	_ =	sdelay $0x1  }
0x99: {  	s4 =	simm.s32 $_scs_section_size  }
0x9a: {  	s5 =	simm.s32 $_size__tile_overlayer_lowered;
	s6 =	simm.s32 $_tile_overlayer_lowered  }
0x9b: {  	s22 =	simm.s32 $0x1BFF;
	s21 =	sshll.u32 s6, $0x1;
	s3 =	sadd.s32 s4, s19  }
0x9c: {  	s7 =	simm.s32 $0x0;
	s20 =	sshll.u32 s5, $0x1;
	s5 =	sadd.s32 s21, s3  }
0x9d: {  	[timem:s7], [sflag:s22] =	dma.local [hbm:s5], s20  }
0x9e: {  	_ =	swait.ge [sflag:s22], s20  }
0x9f: {  	s4 =	ssub.s32 $0x0, s20;
	[sflag:s22] =	ssyncset.done $0x0  }
0xa0: {  	[sflag:s22] =	ssyncadd.s32 s4;
	_ =	sdelay $0x1  }
0xa1: {  	s23 =	simm.s32 $0x1B8B  }
0xa2: {  	_ =	swait.ge [sflag:s23], $0x1  }
0xa3: {  	[sflag:s23] =	ssyncset.done $0x0  }
0xa4: {  	s25 =	simm.s32 $0x1B8E;
	s24 =	sld [smem:$0x3FFE];
	[sflag:s23] =	ssyncadd.s32 $0xFFFFFFFF  }
0xa5: {  	s26 =	simm.s32 $execute0_lowered;
	[smem:$0x3FD2] =	sst s25  }
0xa6: {  	s5 =	sshll.u32 s26, $0x1;
	_ =	strace $0x80000046;
	[dreg:$0x1] =	wrdreg $0xFFFFFFFF  }
0xa7: {  	s28 =	simm.s32 $_size_execute0_lowered;
	s3 =	sadd.s32 s3, s5;
	[dreg:$0x0] =	wrdreg $0x0  }
0xa8: {  	s5 =	sshll.u32 s28, $0x1;
	[dreg:$0x2] =	wrdreg s3  }
0xa9: {  	[dreg:$0x3] =	wrdreg s5  }
0xaa: {  	[dreg:$0x4] =	wrdreg $0xC0  }
0xab: {  	_ =	task [dreg:s7], $0x5FFFF  }
0xac: {  	[dreg:$0x1] =	wrdreg $0xFFFFFFFF  }
0xad: {  	[dreg:$0x0] =	wrdreg $0x60  }
0xae: {  	[dreg:$0x2] =	wrdreg s24  }
0xaf: {  	[dreg:$0x3] =	wrdreg s2  }
0xb0: {  	[dreg:$0x4] =	wrdreg $0x108400  }
0xb1: {  	[dreg:$0x5] =	wrdreg $0x9  }
0xb2: {  	_ =	task.clear_ibuf [dreg:s7], $0x6FFFF;
	_ =	strace $0x90000046  }
0xb3: {  	s29 =	simm.s32 $0x9;
	_ =	strace $0x80000048  }
0xb4: {  	_ =	swait.ge [sflag:s29], $0x1  }
0xb5: {  	[sflag:s29] =	ssyncadd.s32 $0xFFFFFFFF  }
0xb6: {  	_ =	strace $0x90000048  }
0xb7: {  	_ =	sfence  }
0xb8: {  	s30 =	sld [smem:$0x0];
	_ =	sdelay $0x2  }
0xb9: {  	s31 =	sshll.u32 s1, $0xD;
	s1 =	sshrl.u32 s1, $0x2  }
0xba: {  	s3 =	sand.u32 $0x4000, s31;
	s1 =	sadd.s32 s1, s30  }
0xbb: {  	s0 =	sor.u32 s3, s0;
	s1 =	sshll.u32 s1, $0x11  }
0xbc: {  	s0 =	sor.u32 s1, s0  }
0xbd: {  	s0 =	sadd.s32 $0x8F2B, s0  }
0xbe: {  	[sflag:s0] =	ssyncadd.remote.s32 $0x1  }
0xbf: {  	_ =	sfence.sel $0xFFFF  }
0xc0: {  	[dreg:$0x0] =	wrdreg $0xFFFFFFFF;
	(pc) =	sbr.abs _section_cstart, $3  }
0xc1: {  	[dreg:$0x1] =	wrdreg $0xFFFFFFFF  }
0xc2: {  	_ =	task.clear_ibuf [dreg:s7], $0x2FFFF;
	_ =	strace $0x9FFFFFFF  }
0xc3: {  	(tm) =	ssettm $0x7FFFFFFF  }
tec
execute0_lowered:
.L_overlay_start_1:
0x0: {  	(tag) =	ssettag $0x1  }
0x1: {  	s4 =	rddreg [dreg:$0x0]  }
0x2: {  	s9 =	rddreg [dreg:$0x1]  }
0x3: {  	s1 =	rddreg [dreg:$0x2]  }
0x4: {  	s0 =	rddreg [dreg:$0x3];
	s3 =	srdreg.scid  }
0x5: {  	s2 =	simm.s32 $0x0;
	s18 =	stileid.u32;
	s13 =	simm.s32 $0xE000  }
0x6: {  	s14 =	simm.s32 $0xE400;
	s15 =	simm.s32 $0xF400;
	s16 =	simm.s32 $0x1  }
0x7: {  	s17 =	simm.s32 $0x2;
	s19 =	simm.s32 $0x0;
	s25 =	simm.s32 $0x0  }
0x8: {  	s3 =	sand.u32 $0x1, s3;
	[smem:$0x7FF] =	sst s2;
	s5 =	smul.u32 $0x1C00, s18  }
0x9: {  	s29 =	sshll.u32 s18, $0x5;
	s30 =	sor.u32 $0x10, s18;
	s8 =	sshll.u32 s18, $0x6  }
0xa: {  	p0 =	sne.s32 s18, $0x0;
	p1 =	sgt.u32 s18, $0x8;
	s18 =	simm.s32 $0x10820  }
0xb: {  	s6 =	ssub.s32 $0x2, s3;
	_ =	strace $0x80000047;
	s11 =	sshll.u32 s3, $0x5  }
0xc: {  	s12 =	sshll.u32 s30, $0x6;
	s31 =	sshll.u32 s30, $0x5;
	s7 =	sshrl.u32 s6, $0x1  }
0xd: {  	s5 =	sadd.s32 s5, s4;
	s4 =	sadd.s32 $0xF42A00, s4;
	s8 =	sor.u32 s11, s8  }
0xe: {  	s11 =	sor.u32 s11, s12;
	s12 =	simm.s32 $0x80;
	s10 =	ssub.s32 s6, s7  }
0xf: {  	s5 =	sadd.s32 $0x600, s5;
	s6 =	sadd.s32 s29, s1;
	s8 =	sshrl.u32 s8, $0x3  }
0x10: {  	v0 =	vlaneseq.u32;
	s11 =	sshrl.u32 s11, $0x3;
	s7 =	sadd.s32 s9, s8;
	s8 =	sadd.s32 s31, s1  }
0x11: {  	v1 =	vor.u32 $0x10, v0;
	v2 =	vmul.u32 $0x38, v0;
	s9 =	sadd.s32 s9, s11;
	s10 =	smax.u32 s10, $0x1;
	s11 =	simm.s32 $0x3  }
.LBB2_1:
0x12: {  	[tilespmem:s2], [sflag:$0x3] =	stream.linear.gather [hbm4b:s5+s2], $0xE000, $0x38;
	[tilespmem:$0x10880] =	vst v63  }
0x13: {  	_ =	swait.ge [sflag:s11], $0xE000  }
0x14: {  	[sflag:s11] =	ssyncset.done $0x0  }
0x15: {  	[sflag:s11] =	ssyncadd.s32 $0xFFFF2000  }
0x16: {  	[tilespmem:$0x10800] =	vst v0  }
0x17: {  	s20 =	simm.s32 $0x0;
	[tilespmem:$0x10810] =	vst v1  }
.LBB2_2:
0x18: {  	s21 =	simm.s32 $0x0  }
0x19: {  	s22 =	sshll.u32 s20, $0x1;
	v3 =	vmov s21  }
0x1a: {  	s28 =	sor.u32 s3, s22;
	v3 =	vmul.u32 $0x38, v3  }
0x1b: {  	v4 =	vmov s28  }
0x1c: {  	v4 =	vand.u32 $0x3F, v4;
	v5 =	vbroadcast v3, $0x0  }
0x1d: {  	v3 =	vadd.s32 v2, v4  }
0x1e: {  	s29 =	simm.s32 $0x10;
	v4 =	vadd.s32 v5, v3  }
0x1f: {  	v5 =	vmov s29  }
0x20: {  	v5 =	vmul.u32 $0x38, v5;
	_ =	sdelay $0x1  }
0x21: {  	v5 =	vbroadcast v5, $0x0  }
0x22: {  	v4 =	vld.idx.msk [tilespmem:v4+s2+$0x0], $0xffff  }
0x23: {  	s30 =	simm.s32 $0x20;
	v5 =	vadd.s32 v5, v3  }
0x24: {  	v6 =	vmov s30  }
0x25: {  	v6 =	vmul.u32 $0x38, v6  }
0x26: {  	s21 =	simm.s32 $0xE000  }
0x27: {  	v6 =	vbroadcast v6, $0x0;
	[tilespmem:s21+$0x0] =	vst v4  }
0x28: {  	v5 =	vld.idx.msk [tilespmem:v5+s2+$0x0], $0xffff  }
0x29: {  	v4 =	vadd.s32 v6, v3  }
0x2a: {  	s31 =	simm.s32 $0x30  }
0x2b: {  	s22 =	simm.s32 $0x40;
	v6 =	vmov s31  }
.LBB2_3:
0x2c: {  	p2 =	sne.s32 s22, $0x3F0;
	v6 =	vmul.u32 $0x38, v6;
	s21 =	sadd.s32 $0x10, s21  }
0x2d: {  	[tilespmem:s21+$0x0] =	vst v5  }
.Ltmp0:
0x2e: {  	v6 =	vbroadcast v6, $0x0;
	v5 =	vld.idx.msk [tilespmem:v4+s2+$0x0], $0xffff;
	(pc) =	sbr.rel @p2 .LBB2_3-.Ltmp0, $3  }
0x2f: {  	_ = 	snop  }
0x30: {  	v4 =	vadd.s32 v6, v3;
	_ =	sdelay $0x1  }
0x31: {  	v6 =	vmov s22;
	s22 =	sadd.s32 $0x10, s22  }
0x32: {  	_ = 	snop  }
0x33: {  	v6 =	vmul.u32 $0x38, v6  }
0x34: {  	s21 =	sadd.s32 $0x10, s21  }
0x35: {  	[tilespmem:s21+$0x0] =	vst v5;
	v5 =	vbroadcast v6, $0x0  }
0x36: {  	v4 =	vld.idx.msk [tilespmem:v4+s2+$0x0], $0xffff  }
0x37: {  	v3 =	vadd.s32 v5, v3;
	_ =	sdelay $0x2  }
0x38: {  	s21 =	sadd.s32 $0x10, s21  }
0x39: {  	[tilespmem:s21+$0x0] =	vst v4  }
0x3a: {  	v3 =	vld.idx.msk [tilespmem:v3+s2+$0x0], $0xffff;
	_ =	sdelay $0x3  }
0x3b: {  	v8 =	vimm.f32 $0.0e+00;
	v7 =	vimm.f32 $0.0e+00;
	s21 =	sadd.s32 $0x10, s21  }
0x3c: {  	v10 =	vimm.f32 $0.0e+00;
	v9 =	vimm.f32 $0.0e+00;
	v6 =	vimm.f32 $0.0e+00;
	[tilespmem:s21+$0x0] =	vst v3;
	s21 =	simm.s32 $0x0  }
0x3d: {  	v5 =	vimm.f32 $0.0e+00;
	v4 =	vimm.f32 $0.0e+00;
	v3 =	vimm.f32 $0.0e+00;
	[tilespmem:s14], [sflag:$0x1] =	stream.indirect.gather [hbm4b:s4+s12], $0x20, s13, s12, $0xb8;
	[tilespmem:$0x10880] =	vst v63  }
.LBB2_5:
0x3e: {  	s22 =	sshll.u32 s21, $0x8  }
0x3f: {  	s22 =	sand.u32 $0x3FFFFF00, s22  }
0x40: {  	s23 =	sadd.s32 $0xE080, s22  }
0x41: {  	[tilespmem:s15], [sflag:$0x2] =	stream.indirect.gather [hbm4b:s4+s12], $0x20, s23, s12, $0xb8;
	[tilespmem:$0x10880] =	vst v63  }
0x42: {  	_ =	swait.ge [sflag:s16], $0x1000  }
0x43: {  	[sflag:s16] =	ssyncset.done $0x0  }
0x44: {  	[sflag:s16] =	ssyncadd.s32 $0xFFFFF000  }
0x45: {  	v14 =	vld [tilespmem:s25+$0xE470]  }
0x46: {  	v15 =	vld [tilespmem:s25+$0xE400]  }
0x47: {  	v16 =	vld [tilespmem:s25+$0xE410]  }
0x48: {  	v12 =	vld [tilespmem:s25+$0xE420]  }
0x49: {  	v13 =	vld [tilespmem:s25+$0xE430]  }
0x4a: {  	v11 =	vld [tilespmem:s25+$0xE440]  }
0x4b: {  	v8 =	vadd.f32 v14, v8;
	v14 =	vld [tilespmem:s25+$0xE450]  }
0x4c: {  	s24 =	simm.s32 $0x400;
	s23 =	simm.s32 $0x80;
	v9 =	vadd.f32 v15, v9;
	v10 =	vadd.f32 v16, v10;
	v15 =	vld [tilespmem:s25+$0xE460]  }
.LBB2_6:
0x4d: {  	p2 =	sne.s32 s24, $0x3E00;
	v16 =	vld [tilespmem:s23+$0xE470];
	v7 =	vadd.f32 v12, v7  }
0x4e: {  	v17 =	vld [tilespmem:s23+$0xE400];
	v6 =	vadd.f32 v13, v6  }
0x4f: {  	v18 =	vld [tilespmem:s23+$0xE410];
	v5 =	vadd.f32 v11, v5  }
.Ltmp1:
0x50: {  	v12 =	vld [tilespmem:s23+$0xE420];
	v3 =	vadd.f32 v14, v3;
	(pc) =	sbr.rel @p2 .LBB2_6-.Ltmp1, $4  }
0x51: {  	v13 =	vld [tilespmem:s23+$0xE430];
	v4 =	vadd.f32 v15, v4  }
0x52: {  	v11 =	vld [tilespmem:s23+$0xE440];
	v8 =	vadd.f32 v16, v8  }
0x53: {  	v9 =	vadd.f32 v17, v9;
	v14 =	vld [tilespmem:s23+$0xE450]  }
0x54: {  	v10 =	vadd.f32 v18, v10;
	v15 =	vld [tilespmem:s23+$0xE460];
	s23 =	sshra.s32 s24, $0x2;
	s24 =	sadd.s32 $0x200, s24  }
0x55: {  	v16 =	vld [tilespmem:s23+$0xE470]  }
0x56: {  	v17 =	vld [tilespmem:s23+$0xE400]  }
0x57: {  	v18 =	vld [tilespmem:s23+$0xE410]  }
0x58: {  	v19 =	vld [tilespmem:s23+$0xE420]  }
0x59: {  	v20 =	vld [tilespmem:s23+$0xE430]  }
0x5a: {  	v21 =	vld [tilespmem:s23+$0xE440]  }
0x5b: {  	v22 =	vld [tilespmem:s23+$0xE450];
	p2 =	seq.s32 s21, $0x3  }
0x5c: {  	v23 =	vld [tilespmem:s23+$0xE460];
	s22 =	sadd.s32 @!p2 $0xE100, s22;
	s23 =	simm.s32 @!p2 $0x80;
	s24 =	simm.s32 @!p2 $0xE400  }
0x5d: {  	[tilespmem:s24], [sflag:$0x1] =	stream.indirect.gather @!p2 [hbm4b:s4+s23], $0x20, s22, s23, $0xb8;
	[tilespmem:$0x10880] =	vst v63  }
0x5e: {  	_ =	swait.ge [sflag:s17], $0x1000  }
0x5f: {  	[sflag:s17] =	ssyncset.done $0x0  }
0x60: {  	s31 =	simm.s32 $0x0;
	[sflag:s17] =	ssyncadd.s32 $0xFFFFF000  }
0x61: {  	v7 =	vadd.f32 v12, v7;
	v6 =	vadd.f32 v13, v6;
	v24 =	vld [tilespmem:s31+$0xF470]  }
0x62: {  	v13 =	vadd.f32 v11, v5;
	v14 =	vadd.f32 v14, v3;
	v25 =	vld [tilespmem:s31+$0xF400]  }
0x63: {  	v15 =	vadd.f32 v15, v4;
	v8 =	vadd.f32 v16, v8;
	v16 =	vld [tilespmem:s31+$0xF410]  }
0x64: {  	v9 =	vadd.f32 v17, v9;
	v10 =	vadd.f32 v18, v10;
	v11 =	vld [tilespmem:s31+$0xF420]  }
0x65: {  	v5 =	vadd.f32 v19, v7;
	v3 =	vadd.f32 v20, v6;
	v12 =	vld [tilespmem:s31+$0xF430]  }
0x66: {  	v6 =	vadd.f32 v21, v13;
	v4 =	vadd.f32 v22, v14;
	v13 =	vld [tilespmem:s31+$0xF440]  }
0x67: {  	v7 =	vadd.f32 v23, v15;
	v14 =	vld [tilespmem:s31+$0xF450];
	v8 =	vadd.f32 v24, v8  }
0x68: {  	s22 =	simm.s32 $0x80;
	s23 =	simm.s32 $0x400;
	v15 =	vld [tilespmem:s31+$0xF460];
	v9 =	vadd.f32 v25, v9;
	v10 =	vadd.f32 v16, v10  }
.LBB2_8:
0x69: {  	p2 =	sne.s32 s23, $0x3E00;
	v16 =	vld [tilespmem:s22+$0xF470];
	v5 =	vadd.f32 v11, v5  }
0x6a: {  	v17 =	vld [tilespmem:s22+$0xF400];
	v3 =	vadd.f32 v12, v3  }
0x6b: {  	v18 =	vld [tilespmem:s22+$0xF410];
	v6 =	vadd.f32 v13, v6  }
.Ltmp2:
0x6c: {  	v11 =	vld [tilespmem:s22+$0xF420];
	v4 =	vadd.f32 v14, v4;
	(pc) =	sbr.rel @p2 .LBB2_8-.Ltmp2, $4  }
0x6d: {  	v12 =	vld [tilespmem:s22+$0xF430];
	v7 =	vadd.f32 v15, v7  }
0x6e: {  	v13 =	vld [tilespmem:s22+$0xF440];
	v8 =	vadd.f32 v16, v8  }
0x6f: {  	v9 =	vadd.f32 v17, v9;
	v14 =	vld [tilespmem:s22+$0xF450]  }
0x70: {  	v10 =	vadd.f32 v18, v10;
	v15 =	vld [tilespmem:s22+$0xF460];
	s22 =	sshra.s32 s23, $0x2;
	s23 =	sadd.s32 $0x200, s23  }
0x71: {  	v16 =	vld [tilespmem:s22+$0xF470]  }
0x72: {  	v17 =	vld [tilespmem:s22+$0xF400]  }
0x73: {  	v18 =	vld [tilespmem:s22+$0xF410]  }
0x74: {  	v19 =	vld [tilespmem:s22+$0xF420]  }
0x75: {  	v20 =	vld [tilespmem:s22+$0xF430]  }
0x76: {  	v21 =	vld [tilespmem:s22+$0xF440]  }
0x77: {  	v5 =	vadd.f32 v11, v5;
	v11 =	vld [tilespmem:s22+$0xF450];
	s21 =	sadd.s32 $0x1, s21  }
0x78: {  	v62 =	vld [tilespmem:s22+$0xF460];
	v3 =	vadd.f32 v12, v3;
	p2 =	sne.s32 s21, $0x4;
	v61 =	vadd.f32 v13, v6  }
.Ltmp3:
0x79: {  	v4 =	vadd.f32 v14, v4;
	v63 =	vadd.f32 v15, v7;
	(pc) =	sbr.rel @p2 .LBB2_5-.Ltmp3, $4  }
0x7a: {  	v8 =	vadd.f32 v16, v8;
	v9 =	vadd.f32 v17, v9  }
0x7b: {  	v10 =	vadd.f32 v18, v10;
	v7 =	vadd.f32 v19, v5  }
0x7c: {  	v6 =	vadd.f32 v20, v3;
	v5 =	vadd.f32 v21, v61  }
0x7d: {  	v3 =	vadd.f32 v11, v4;
	v4 =	vadd.f32 v62, v63  }
0x7e: {  	s21 =	sshll.u32 s20, $0x5;
	s20 =	sadd.s32 $0x1, s20  }
0x7f: {  	v7 =	vadd.f32 v7, v9;
	v4 =	vadd.f32 v4, v5;
	p2 =	sne.s32 s20, $0x19  }
.Ltmp4:
0x80: {  	v63 =	vadd.f32 v6, v10;
	v3 =	vadd.f32 v8, v3;
	(pc) =	sbr.rel @p2 .LBB2_2-.Ltmp4, $4  }
0x81: {  	v4 =	vadd.f32 v4, v7  }
0x82: {  	s21 =	sand.u32 $0x3FFFFFE0, s21;
	v3 =	vadd.f32 v3, v63  }
0x83: {  	[tilespmem:s21+$0x10400] =	vst v4  }
0x84: {  	[tilespmem:s21+$0x10410] =	vst v3  }
0x85: {  	[bflag:$0x0] =	sbarrier.arrive @p0 $0xFFFF  }
0x86: {  	s20 =	simm.s32 @p0 $0x20;
	s21 =	simm.s32 @p0 $0x10800;
	s22 =	simm.s32 @p0 $0x10400  }
0x87: {  	[spmem:s1] =	stream.indirect.scatter.add.f32 @p0 [tilespmem:s22], [sflag:$0x3], $0x20, s21, s20, $0xb8;
	[tilespmem:$0x10880] =	vst v63  }
0x88: {  	s20 =	simm.s32 @p0 $0x3  }
0x89: {  	_ =	swait.ge @p0 [sflag:s20], $0x400  }
0x8a: {  	[sflag:s20] =	ssyncset.done @p0 $0x0  }
0x8b: {  	[sflag:s20] =	ssyncadd.s32 @p0 $0xFFFFFC00;
	s20 =	simm.s32 @!p0 $0x10400  }
0x8c: {  	[spmem:s1] =	stream.linear.scatter @!p0 [tilespmem:s20], [sflag:$0x3], $0x400, $0x38;
	[tilespmem:$0x10880] =	vst v63  }
0x8d: {  	s20 =	simm.s32 @!p0 $0x3  }
0x8e: {  	_ =	swait.ge @!p0 [sflag:s20], $0x400  }
0x8f: {  	[sflag:s20] =	ssyncset.done @!p0 $0x0  }
0x90: {  	[sflag:s20] =	ssyncadd.s32 @!p0 $0xFFFFFC00  }
0x91: {  	[bflag:$0x0] =	sbarrier.arrive @!p0 $0xFFFF  }
0x92: {  	[bflag:$0x0] =	sbarrier.arrive $0xFFFF  }
0x93: {  	[tilespmem:s18], [sflag:$0x3] =	stream.linear.gather [spmem:s6], $0x20, $0x38;
	[tilespmem:$0x10880] =	vst v63  }
0x94: {  	_ =	swait.ge [sflag:s11], $0x20  }
0x95: {  	[sflag:s11] =	ssyncset.done $0x0  }
0x96: {  	[sflag:s11] =	ssyncadd.s32 $0xFFFFFFE0  }
0x97: {  	v3 =	vld [tilespmem:$0x10820]  }
0x98: {  	v4 =	vld [tilespmem:$0x10830];
	_ =	sdelay $0x3  }
0x99: {  	v3 =	vmul.f32 $6.103515630e-05, v3  }
0x9a: {  	v4 =	vmul.f32 $6.103515630e-05, v4  }
0x9b: {  	[tilespmem:$0x10820] =	vst v3  }
0x9c: {  	[tilespmem:$0x10830] =	vst v4  }
0x9d: {  	[hbm4b:s7+s2] =	stream.linear.scatter [tilespmem:s18], [sflag:$0x3], $0x20, $0x38;
	[tilespmem:$0x10880] =	vst v63  }
0x9e: {  	_ =	swait.ge [sflag:s11], $0x20  }
0x9f: {  	[sflag:s11] =	ssyncset.done $0x0  }
0xa0: {  	s21 =	simm.s32 @!p1 $0x3;
	s20 =	simm.s32 @!p1 $0x10820;
	[sflag:s11] =	ssyncadd.s32 $0xFFFFFFE0  }
0xa1: {  	[tilespmem:s20], [sflag:$0x3] =	stream.linear.gather @!p1 [spmem:s8], $0x20, $0x38;
	[tilespmem:$0x10880] =	vst v63  }
0xa2: {  	_ =	swait.ge @!p1 [sflag:s21], $0x20  }
0xa3: {  	[sflag:s21] =	ssyncset.done @!p1 $0x0  }
0xa4: {  	[sflag:s21] =	ssyncadd.s32 @!p1 $0xFFFFFFE0  }
0xa5: {  	v3 =	vld @!p1 [tilespmem:$0x10820]  }
0xa6: {  	v4 =	vld @!p1 [tilespmem:$0x10830];
	_ =	sdelay $0x3  }
0xa7: {  	v3 =	vmul.f32 @!p1 $6.103515630e-05, v3  }
0xa8: {  	s19 =	sadd.s32 $0x1, s19;
	v4 =	vmul.f32 @!p1 $6.103515630e-05, v4  }
0xa9: {  	p2 =	sne.s32 s19, s10;
	[tilespmem:$0x10820] =	vst @!p1 v3  }
.Ltmp5:
0xaa: {  	s22 =	simm.s32 @!p1 $0x0;
	[tilespmem:$0x10830] =	vst @!p1 v4;
	(pc) =	sbr.rel @p2 .LBB2_1-.Ltmp5, $4  }
0xab: {  	[hbm4b:s9+s22] =	stream.linear.scatter @!p1 [tilespmem:s20], [sflag:$0x3], $0x20, $0x38;
	[tilespmem:$0x10880] =	vst v63  }
0xac: {  	_ =	swait.ge @!p1 [sflag:s21], $0x20  }
0xad: {  	[sflag:s21] =	ssyncset.done @!p1 $0x0  }
0xae: {  	[sflag:s21] =	ssyncadd.s32 @!p1 $0xFFFFFFE0  }
0xaf: {  	_ =	sfence.sel $0x180000  }
0xb0: {  	[bflag:$0x0] =	sbarrier.arrive $0xFFFF  }
0xb1: {  	_ =	strace $0x90000047  }
0xb2: {  	s0 =	sadd.s32 @!p0 $0x100000, s0;
	[bflag:$0x2] =	sbarrier.arrive $0xFFFF  }
0xb3: {  	[sflag:s0] =	ssyncadd.tile.s32 @!p0 $0x1;
	_ =	shalt  }
.Lfunc_end2:
_tile_overlayer_lowered:
.L_overlay_start_2:
0xb4: {  	(tag) =	ssettag $0x2  }
0xb5: {  	s0 =	rddreg [dreg:$0x0];
	s2 =	stileid.u32  }
0xb6: {  	s1 =	rddreg [dreg:$0x1];
	p0 =	sne.s32 s2, $0x0  }
0xb7: {  	s3 =	rddreg [dreg:$0x2];
	[bflag:$0x3] =	sbarrier.arrive $0xFFFF;
	s2 =	simm.s32 @!p0 $0x1C03  }
0xb8: {  	[timem:s3], [sflag:s2] =	dma.local @!p0 [hbm:s0], s1  }
0xb9: {  	s0 =	simm.s32 @!p0 $0x3  }
0xba: {  	_ =	swait.ge @!p0 [sflag:s0], s1  }
0xbb: {  	s1 =	ssub.s32 @!p0 $0x0, s1;
	[sflag:s0] =	ssyncset.done @!p0 $0x0  }
0xbc: {  	[sflag:s0] =	ssyncadd.s32 @!p0 s1  }
0xbd: {  	[bflag:$0x3] =	sbarrier.arrive $0xFFFF  }
0xbe: {  	_ =	shalt  }

</sc_bundles>
